<compile_context>
chip_gen: v7x
topology: tpu7x:2x2x1
jax: 0.10.2.dev20260603
libtpu: 0.0.44.dev20260713+nightly
codegen_flags: <defaults>
</compile_context>

<pallas_src>
import functools

import jax
import jax.numpy as jnp
from jax import lax
from jax.experimental import pallas as pl
from jax.experimental.pallas import tpu as pltpu
from jax.experimental.pallas import tpu_sc as plsc

N = 10000
E = 160000
F = 64
HID = 16

NC = 2
NS = 16
NW = NC * NS
EPW = E // NW
CH = 128
NFULL = EPW // CH
TAIL = EPW - NFULL * CH

NPAD = 10016
RPT = NPAD // NS

ET = 3200
NT = 2000


def _node_prep_body(x_ref, inp_ref, outp_ref, tcat_ref, o_ref):
    i = pl.program_id(0)
    inp_row = inp_ref[pl.ds(i, 1), :]
    outp_row = outp_ref[pl.ds(i, 1), :]
    oh_in = (jnp.broadcast_to(inp_row, (128, NT)) ==
             lax.broadcasted_iota(jnp.int32, (128, NT), 0)).astype(jnp.float32)
    oh_out = (jnp.broadcast_to(outp_row, (128, NT)) ==
              lax.broadcasted_iota(jnp.int32, (128, NT), 0)).astype(jnp.float32)
    rowt = jnp.concatenate([oh_in, oh_out], axis=0)
    emb = lax.dot_general(rowt, tcat_ref[...],
                          dimension_numbers=(((0,), (0,)), ((), ())),
                          preferred_element_type=jnp.float32)
    o_ref[...] = jnp.concatenate([x_ref[...], emb], axis=1)


def _node_prep(x, input_np, output_np, tcat):
    return pl.pallas_call(
        _node_prep_body,
        grid=(N // NT,),
        in_specs=[
            pl.BlockSpec((NT, 32), lambda i: (i, 0)),
            pl.BlockSpec((N // NT, NT), lambda i: (0, 0)),
            pl.BlockSpec((N // NT, NT), lambda i: (0, 0)),
            pl.BlockSpec((256, 32), lambda i: (0, 0)),
        ],
        out_specs=pl.BlockSpec((NT, F), lambda i: (i, 0)),
        out_shape=jax.ShapeDtypeStruct((N, F), jnp.float32),
    )(x, input_np.reshape(N // NT, NT), output_np.reshape(N // NT, NT), tcat)


def _gather_body(xcat_hbm, src_hbm, out_hbm, idx_v, rows_v, idx_t, rows_t, sem):
    wid = lax.axis_index("s") * NC + lax.axis_index("c")
    base = wid * EPW

    def chunk(c, _):
        off = base + c * CH
        pltpu.sync_copy(src_hbm.at[pl.ds(off, CH)], idx_v)
        pltpu.async_copy(xcat_hbm.at[idx_v], rows_v, sem).wait()
        pltpu.sync_copy(rows_v, out_hbm.at[pl.ds(off, CH)])
        return 0

    lax.fori_loop(0, NFULL, chunk, 0)
    off = base + NFULL * CH
    pltpu.sync_copy(src_hbm.at[pl.ds(off, TAIL)], idx_t)
    pltpu.async_copy(xcat_hbm.at[idx_t], rows_t, sem).wait()
    pltpu.sync_copy(rows_t, out_hbm.at[pl.ds(off, TAIL)])


def _sc_gather(x_cat, src):
    mesh = plsc.VectorSubcoreMesh(core_axis_name="c", subcore_axis_name="s")
    return pl.kernel(
        _gather_body,
        out_type=jax.ShapeDtypeStruct((E, F), jnp.float32),
        mesh=mesh,
        compiler_params=pltpu.CompilerParams(use_tc_tiling_on_sc=False),
        scratch_types=[
            pltpu.VMEM((CH,), jnp.int32),
            pltpu.VMEM((CH, F), jnp.float32),
            pltpu.VMEM((TAIL,), jnp.int32),
            pltpu.VMEM((TAIL, F), jnp.float32),
            pltpu.SemaphoreType.DMA,
        ],
    )(x_cat, src)


def _edge_body(nt_ref, np_ref, sc_ref, xj_ref, aall_ref, w2p_ref, b2r_ref,
               sel_ref, o_ref):
    i = pl.program_id(0)
    nt_row = nt_ref[pl.ds(i, 1), :]
    np_row = np_ref[pl.ds(i, 1), :]
    sc_row = sc_ref[pl.ds(i, 1), :]
    oh_nt = (jnp.broadcast_to(nt_row, (16, ET)) ==
             lax.broadcasted_iota(jnp.int32, (16, ET), 0)).astype(jnp.float32)
    oh_np = (jnp.broadcast_to(np_row, (64, ET)) ==
             lax.broadcasted_iota(jnp.int32, (64, ET), 0)).astype(jnp.float32)
    ones = jnp.ones((1, ET), jnp.float32)
    rowt = jnp.concatenate([oh_nt, oh_np, sc_row, ones], axis=0)
    pre = lax.dot_general(rowt, aall_ref[...],
                          dimension_numbers=(((0,), (0,)), ((), ())),
                          preferred_element_type=jnp.float32)
    h = jnp.maximum(pre, 0.0)
    xj = xj_ref[...]
    h2p = jnp.dot(h, w2p_ref[...], preferred_element_type=jnp.float32)
    msg = jnp.dot(xj, b2r_ref[...], preferred_element_type=jnp.float32)
    prod = h2p * jnp.tile(xj, (1, HID))
    msg = msg + jnp.dot(prod, sel_ref[...], preferred_element_type=jnp.float32)
    cnt_cols = (lax.broadcasted_iota(jnp.int32, (ET, 16), 1) == 0
                ).astype(jnp.float32)
    o_ref[...] = jnp.concatenate([msg, cnt_cols], axis=1)


def _edge_stage(edge_nt, edge_np, edge_sc, x_j, A_all, W2p, B2r, Sel):
    return pl.pallas_call(
        _edge_body,
        grid=(E // ET,),
        in_specs=[
            pl.BlockSpec((E // ET, ET), lambda i: (0, 0)),
            pl.BlockSpec((E // ET, ET), lambda i: (0, 0)),
            pl.BlockSpec((E // ET, ET), lambda i: (0, 0)),
            pl.BlockSpec((ET, F), lambda i: (i, 0)),
            pl.BlockSpec((82, 64), lambda i: (0, 0)),
            pl.BlockSpec((64, 1024), lambda i: (0, 0)),
            pl.BlockSpec((64, 16), lambda i: (0, 0)),
            pl.BlockSpec((1024, 16), lambda i: (0, 0)),
        ],
        out_specs=pl.BlockSpec((ET, 32), lambda i: (i, 0)),
        out_shape=jax.ShapeDtypeStruct((E, 32), jnp.float32),
    )(edge_nt.reshape(E // ET, ET), edge_np.reshape(E // ET, ET),
      edge_sc.reshape(E // ET, ET), x_j, A_all, W2p, B2r, Sel)


def _scatter_body(msg_hbm, dst_hbm, zeros_hbm, out_hbm,
                  idx_v, val_v, idx_t, val_t, acc):
    c = lax.axis_index("c")
    s = lax.axis_index("s")
    wid = s * NC + c
    pltpu.sync_copy(zeros_hbm, acc.at[pl.ds(s * RPT, RPT)])
    plsc.subcore_barrier()

    base = wid * EPW

    def chunk(k, _):
        off = base + k * CH
        pltpu.sync_copy(dst_hbm.at[pl.ds(off, CH)], idx_v)
        pltpu.sync_copy(msg_hbm.at[pl.ds(off, CH)], val_v)
        pltpu.sync_copy(val_v, acc.at[idx_v], add=True)
        return 0

    lax.fori_loop(0, NFULL, chunk, 0)
    off = base + NFULL * CH
    pltpu.sync_copy(dst_hbm.at[pl.ds(off, TAIL)], idx_t)
    pltpu.sync_copy(msg_hbm.at[pl.ds(off, TAIL)], val_t)
    pltpu.sync_copy(val_t, acc.at[idx_t], add=True)

    plsc.subcore_barrier()
    pltpu.sync_copy(acc.at[pl.ds(s * RPT, RPT)],
                    out_hbm.at[c, pl.ds(s * RPT, RPT)])


def _sc_scatter(msg_aug, dst, zeros_blk):
    mesh = plsc.VectorSubcoreMesh(core_axis_name="c", subcore_axis_name="s")
    return pl.kernel(
        _scatter_body,
        out_type=jax.ShapeDtypeStruct((NC, NPAD, 32), jnp.float32),
        mesh=mesh,
        compiler_params=pltpu.CompilerParams(use_tc_tiling_on_sc=False),
        scratch_types=[
            pltpu.VMEM((CH,), jnp.int32),
            pltpu.VMEM((CH, 32), jnp.float32),
            pltpu.VMEM((TAIL,), jnp.int32),
            pltpu.VMEM((TAIL, 32), jnp.float32),
            pltpu.VMEM_SHARED((NPAD, 32), jnp.float32),
        ],
    )(msg_aug, dst, zeros_blk)


def _final_body(p0_ref, p1_ref, xcat_ref, wroot_ref, bconv_ref, wsup_ref,
                bsup_ref, wnt_ref, bnt_ref, wtag_ref, btag_ref, wprim_ref,
                bprim_ref, osup_ref, ont_ref, otag_ref, oprim_ref):
    s = p0_ref[...] + p1_ref[...]
    sums = s[:, :HID]
    cnt = s[:, HID:HID + 1]
    agg = sums / jnp.maximum(cnt, 1.0)
    root = jnp.dot(xcat_ref[...], wroot_ref[...],
                   preferred_element_type=jnp.float32)
    hnode = jnp.maximum(agg + root + bconv_ref[...], 0.0)
    osup_ref[...] = jnp.dot(hnode, wsup_ref[...],
                            preferred_element_type=jnp.float32) + bsup_ref[...]
    ont_ref[...] = jnp.dot(hnode, wnt_ref[...],
                           preferred_element_type=jnp.float32) + bnt_ref[...]
    otag_ref[...] = jnp.dot(hnode, wtag_ref[...],
                            preferred_element_type=jnp.float32) + btag_ref[...]
    oprim_ref[...] = jnp.dot(hnode, wprim_ref[...],
                             preferred_element_type=jnp.float32) + bprim_ref[...]


def _final_stage(p0, p1, x_cat, W_root, b_conv,
                 W_sup, b_sup, W_nt, b_nt, W_tag, b_tag, W_prim, b_prim):
    hdims = (16, 10, 64, 32)
    head_specs = []
    for hd in hdims:
        head_specs += [pl.BlockSpec((HID, hd), lambda i: (0, 0)),
                       pl.BlockSpec((1, hd), lambda i: (0, 0))]
    return pl.pallas_call(
        _final_body,
        grid=(N // NT,),
        in_specs=[
            pl.BlockSpec((NT, 32), lambda i: (i, 0)),
            pl.BlockSpec((NT, 32), lambda i: (i, 0)),
            pl.BlockSpec((NT, F), lambda i: (i, 0)),
            pl.BlockSpec((F, HID), lambda i: (0, 0)),
            pl.BlockSpec((1, HID), lambda i: (0, 0)),
        ] + head_specs,
        out_specs=[pl.BlockSpec((NT, hd), lambda i: (i, 0)) for hd in hdims],
        out_shape=[jax.ShapeDtypeStruct((N, hd), jnp.float32) for hd in hdims],
    )(p0, p1, x_cat, W_root, b_conv,
      W_sup, b_sup.reshape(1, 16), W_nt, b_nt.reshape(1, 10),
      W_tag, b_tag.reshape(1, 64), W_prim, b_prim.reshape(1, 32))


def kernel(x, input_np, output_np, edge_nt, edge_np, edge_sc, edge_index,
           in_np_table, out_np_table, edge_np_table, edge_nt_table,
           W1, b1, W2, b2, W_root, b_conv,
           W_sup, b_sup, W_nt, b_nt, W_tag, b_tag, W_prim, b_prim):
    f32 = jnp.float32
    A_nt = jnp.zeros((16, 64), f32).at[:10].set(edge_nt_table @ W1[:16])
    A_np = jnp.zeros((64, 64), f32).at[:50].set(edge_np_table @ W1[16:32])
    A_all = jnp.concatenate(
        [A_nt, A_np, W1[32].reshape(1, 64), b1.reshape(1, 64)], axis=0)
    W2p = W2.reshape(64, 64, HID).transpose(0, 2, 1).reshape(64, 64 * HID)
    B2r = b2.reshape(64, HID)
    Sel = (jnp.arange(64 * HID)[:, None] // 64
           == jnp.arange(HID)[None, :]).astype(f32)
    tcat = jnp.zeros((256, 32), f32)
    tcat = tcat.at[0:100, 0:16].set(in_np_table)
    tcat = tcat.at[128:228, 16:32].set(out_np_table)

    src = edge_index[0].astype(jnp.int32)
    dst = edge_index[1].astype(jnp.int32)

    x_cat = _node_prep(x, input_np.astype(jnp.int32),
                       output_np.astype(jnp.int32), tcat)
    x_j = _sc_gather(x_cat, src)
    msg_aug = _edge_stage(edge_nt.astype(jnp.int32), edge_np.astype(jnp.int32),
                          edge_sc, x_j, A_all, W2p, B2r, Sel)
    zeros_blk = jnp.zeros((RPT, 32), f32)
    partials = _sc_scatter(msg_aug, dst, zeros_blk)
    return tuple(_final_stage(partials[0], partials[1], x_cat, W_root,
                              b_conv.reshape(1, HID), W_sup, b_sup,
                              W_nt, b_nt, W_tag, b_tag, W_prim, b_prim))

# --- scband reference (transcript-rebuilt; emitter-appended) ---
"""Pipeline reference for scband-gnnmodel-88845693485829 (READ-ONLY COPY).

The authoritative reference and input builder live on the scoring server;
editing this copy changes nothing except your own understanding.
"""

import jax, jax.numpy as jnp
import numpy as np

N = 10000
E = 160000
IN_FEATS = 32
ED_NODE = 16
ED_EDGE = 16
HID = 16
NUM_IN_NP = 100
NUM_OUT_NP = 100
NUM_EDGE_NP = 50
NUM_EDGE_NT = 10
NSUP = 16
NNT = 10
NTAG = 64
NPRIM = 32
NODE_FEAT = IN_FEATS + 2 * ED_NODE
EDGE_FEAT = 2 * ED_EDGE + 1


def _p(k, shape):
    return jax.random.normal(k, shape, jnp.float32) * 0.05


def setup_inputs(seed: int = 0):
    key = jax.random.key(seed)
    ks = jax.random.split(key, 28)
    inp = {}
    inp['x'] = jax.random.normal(ks[0], (N, IN_FEATS), jnp.float32)
    inp['input_np'] = jax.random.randint(ks[1], (N,), 0, NUM_IN_NP)
    inp['output_np'] = jax.random.randint(ks[2], (N,), 0, NUM_OUT_NP)
    inp['edge_nt'] = jax.random.randint(ks[3], (E,), 0, NUM_EDGE_NT)
    inp['edge_np'] = jax.random.randint(ks[4], (E,), 0, NUM_EDGE_NP)
    inp['edge_sc'] = jax.random.uniform(ks[5], (E,), jnp.float32)
    inp['edge_index'] = jax.random.randint(ks[6], (2, E), 0, N)
    inp['in_np_table'] = _p(ks[7], (NUM_IN_NP, ED_NODE))
    inp['out_np_table'] = _p(ks[8], (NUM_OUT_NP, ED_NODE))
    inp['edge_np_table'] = _p(ks[9], (NUM_EDGE_NP, ED_EDGE))
    inp['edge_nt_table'] = _p(ks[10], (NUM_EDGE_NT, ED_EDGE))
    inp['W1'] = _p(ks[11], (EDGE_FEAT, 64))
    inp['b1'] = jnp.zeros((64,), jnp.float32)
    inp['W2'] = _p(ks[12], (64, NODE_FEAT * HID))
    inp['b2'] = jnp.zeros((NODE_FEAT * HID,), jnp.float32)
    inp['W_root'] = _p(ks[13], (NODE_FEAT, HID))
    inp['b_conv'] = jnp.zeros((HID,), jnp.float32)
    inp['W_sup'] = _p(ks[14], (HID, NSUP))
    inp['b_sup'] = jnp.zeros((NSUP,), jnp.float32)
    inp['W_nt'] = _p(ks[15], (HID, NNT))
    inp['b_nt'] = jnp.zeros((NNT,), jnp.float32)
    inp['W_tag'] = _p(ks[16], (HID, NTAG))
    inp['b_tag'] = jnp.zeros((NTAG,), jnp.float32)
    inp['W_prim'] = _p(ks[17], (HID, NPRIM))
    inp['b_prim'] = jnp.zeros((NPRIM,), jnp.float32)
    return inp


def reference(x, input_np, output_np, edge_nt, edge_np, edge_sc, edge_index,
              in_np_table, out_np_table, edge_np_table, edge_nt_table,
              W1, b1, W2, b2, W_root, b_conv,
              W_sup, b_sup, W_nt, b_nt, W_tag, b_tag, W_prim, b_prim):
    # node features: concat numeric + two embedding lookups
    x_cat = jnp.concatenate([x,
                             jnp.take(in_np_table, input_np, axis=0),
                             jnp.take(out_np_table, output_np, axis=0)], axis=1)
    # edge features: two embedding lookups + scalar
    edge_attr = jnp.concatenate([jnp.take(edge_nt_table, edge_nt, axis=0),
                                 jnp.take(edge_np_table, edge_np, axis=0),
                                 edge_sc.reshape(-1, 1)], axis=1)
    # NNConv edge MLP -> per-edge weight matrices [E, NODE_FEAT, HID]
    h = jax.nn.relu(edge_attr @ W1 + b1)
    w = (h @ W2 + b2).reshape(-1, NODE_FEAT, HID)
    src = edge_index[0]
    dst = edge_index[1]
    x_j = jnp.take(x_cat, src, axis=0)
    msg = jnp.einsum('ei,eio->eo', x_j, w)
    # aggr='mean' scatter over destination nodes
    sums = jax.ops.segment_sum(msg, dst, num_segments=N)
    cnt = jax.ops.segment_sum(jnp.ones((E,), jnp.float32), dst, num_segments=N)
    agg = sums / jnp.clip(cnt, 1.0, None)[:, None]
    # root weight + bias, then ReLU (dropout is identity in eval mode)
    hnode = jax.nn.relu(agg + x_cat @ W_root + b_conv)
    return (hnode @ W_sup + b_sup,
            hnode @ W_nt + b_nt,
            hnode @ W_tag + b_tag,
            hnode @ W_prim + b_prim)

if __name__ == "__main__":
    import jax
    _d = setup_inputs()
    print(jax.jit(kernel)(*tuple(_d.values())))

</pallas_src>

<mosaic_0001>
#map = affine_map<(d0, d1) -> (0, 0)>
#map1 = affine_map<(d0, d1) -> (0)>
module attributes {stable_mosaic.version = 14 : i64} {
  func.func @_gather_body(%arg0: i32, %arg1: i32, %arg2: memref<10000x64xf32, #tpu.memory_space<hbm>>, %arg3: memref<160000xi32, #tpu.memory_space<hbm>>, %arg4: memref<160000x64xf32, #tpu.memory_space<hbm>>, %arg5: memref<128xi32, #tpu.memory_space<vmem>>, %arg6: memref<128x64xf32, #tpu.memory_space<vmem>>, %arg7: memref<8xi32, #tpu.memory_space<vmem>>, %arg8: memref<8x64xf32, #tpu.memory_space<vmem>>, %arg9: memref<!tpu.dma_semaphore, #tpu.memory_space<semaphore_mem>>) attributes {dimension_semantics = [#tpu.dimension_semantics<core_parallel>, #tpu.dimension_semantics<subcore_parallel>], iteration_bounds = array<i64: 2, 16>, scalar_prefetch = 0 : i64, scratch_operands = 5 : i64, tpu.core_type = #tpu.core_type<sc_vector_subcore>, window_params = [{transform_indices = #map}, {transform_indices = #map1}, {transform_indices = #map}]} {
    %mul3A = arith.constant 2 : i32
    %mul3A_0 = arith.muli %arg1, %mul3A : i32
    %add3A = arith.addi %mul3A_0, %arg0 : i32
    %mul3A_1 = arith.constant 5000 : i32
    %mul3A_2 = arith.muli %add3A, %mul3A_1 : i32
    %scan3A = arith.constant 0 : i32
    %scan3A_3 = arith.constant 0 : i32
    %scan3A_4 = arith.constant 39 : i32
    %scan3A_5 = arith.addi %scan3A_3, %scan3A_4 : i32
    %scan3A_6 = arith.constant 1 : i32
    %scan3A_7 = scf.for %scan3A_15 = %scan3A_3 to %scan3A_5 step %scan3A_6 iter_args(%scan3A_16 = %scan3A) -> (i32)  : i32 {
      %mul3A_17 = arith.constant 128 : i32
      %mul3A_18 = arith.muli %scan3A_15, %mul3A_17 : i32
      %add3A_19 = arith.addi %mul3A_2, %mul3A_18 : i32
      "tpu.region"() ({
        %run_scoped3A = tpu.sem_alloc : memref<!tpu.dma_semaphore, #tpu.memory_space<semaphore_mem>>
        %dma_start3A_27 = tpu.memref_slice %arg3[%add3A_19] : memref<160000xi32, #tpu.memory_space<hbm>> -> memref<128xi32, #tpu.memory_space<hbm>>
        %dma_start3A_28 = tpu.memref_slice %arg3[%add3A_19] : memref<160000xi32, #tpu.memory_space<hbm>> -> memref<128xi32, #tpu.memory_space<hbm>>
        tpu.enqueue_dma source(%dma_start3A_28 : memref<128xi32, #tpu.memory_space<hbm>>) target(%arg5 : memref<128xi32, #tpu.memory_space<vmem>>) target_semaphore(%run_scoped3A : memref<!tpu.dma_semaphore, #tpu.memory_space<semaphore_mem>>)
        %dma_wait3A_29 = tpu.memref_slice %arg3[%add3A_19] : memref<160000xi32, #tpu.memory_space<hbm>> -> memref<128xi32, #tpu.memory_space<hbm>>
        %dma_wait3A_30 = tpu.memref_slice %arg3[%add3A_19] : memref<160000xi32, #tpu.memory_space<hbm>> -> memref<128xi32, #tpu.memory_space<hbm>>
        tpu.wait_dma2 semaphore(%run_scoped3A : memref<!tpu.dma_semaphore, #tpu.memory_space<semaphore_mem>>) src(%dma_wait3A_30 : memref<128xi32, #tpu.memory_space<hbm>>) dst(%arg5 : memref<128xi32, #tpu.memory_space<vmem>>)
        tpu.yield
      }) : () -> ()
      %dma_start3A_20 = arith.constant 0 : i32
      %dma_start3A_21 = arith.constant 0 : i32
      %dma_start3A_22 = tpu.memref_slice %arg2[%dma_start3A_20, %dma_start3A_21] : memref<10000x64xf32, #tpu.memory_space<hbm>> -> memref<10000x64xf32, #tpu.memory_space<hbm>>
      tpu.enqueue_indirect_dma source(%dma_start3A_22 : memref<10000x64xf32, #tpu.memory_space<hbm>>) target(%arg6 : memref<128x64xf32, #tpu.memory_space<vmem>>) offsets(%arg5 : memref<128xi32, #tpu.memory_space<vmem>>) semaphore(%arg9 : memref<!tpu.dma_semaphore, #tpu.memory_space<semaphore_mem>>)
      %dma_wait3A_23 = arith.constant 0 : i32
      %dma_wait3A_24 = arith.constant 0 : i32
      %dma_wait3A_25 = tpu.memref_slice %arg2[%dma_wait3A_23, %dma_wait3A_24] : memref<10000x64xf32, #tpu.memory_space<hbm>> -> memref<10000x64xf32, #tpu.memory_space<hbm>>
      tpu.wait_indirect_dma semaphore(%arg9 : memref<!tpu.dma_semaphore, #tpu.memory_space<semaphore_mem>>) src(%dma_wait3A_25 : memref<10000x64xf32, #tpu.memory_space<hbm>>) dst(%arg6 : memref<128x64xf32, #tpu.memory_space<vmem>>)
      "tpu.region"() ({
        %run_scoped3A = tpu.sem_alloc : memref<!tpu.dma_semaphore, #tpu.memory_space<semaphore_mem>>
        %dma_start3A_27 = arith.constant 0 : i32
        %dma_start3A_28 = tpu.memref_slice %arg4[%add3A_19, %dma_start3A_27] : memref<160000x64xf32, #tpu.memory_space<hbm>> -> memref<128x64xf32, #tpu.memory_space<hbm>>
        %dma_start3A_29 = arith.constant 0 : i32
        %dma_start3A_30 = tpu.memref_slice %arg4[%add3A_19, %dma_start3A_29] : memref<160000x64xf32, #tpu.memory_space<hbm>> -> memref<128x64xf32, #tpu.memory_space<hbm>>
        tpu.enqueue_dma source(%arg6 : memref<128x64xf32, #tpu.memory_space<vmem>>) target(%dma_start3A_30 : memref<128x64xf32, #tpu.memory_space<hbm>>) target_semaphore(%run_scoped3A : memref<!tpu.dma_semaphore, #tpu.memory_space<semaphore_mem>>)
        %dma_wait3A_31 = arith.constant 0 : i32
        %dma_wait3A_32 = tpu.memref_slice %arg4[%add3A_19, %dma_wait3A_31] : memref<160000x64xf32, #tpu.memory_space<hbm>> -> memref<128x64xf32, #tpu.memory_space<hbm>>
        %dma_wait3A_33 = arith.constant 0 : i32
        %dma_wait3A_34 = tpu.memref_slice %arg4[%add3A_19, %dma_wait3A_33] : memref<160000x64xf32, #tpu.memory_space<hbm>> -> memref<128x64xf32, #tpu.memory_space<hbm>>
        tpu.wait_dma2 semaphore(%run_scoped3A : memref<!tpu.dma_semaphore, #tpu.memory_space<semaphore_mem>>) src(%arg6 : memref<128x64xf32, #tpu.memory_space<vmem>>) dst(%dma_wait3A_34 : memref<128x64xf32, #tpu.memory_space<hbm>>)
        tpu.yield
      }) : () -> ()
      %scan3A_26 = arith.constant 0 : i32
      scf.yield %scan3A_26 : i32
    }
    %scan3A_8 = arith.constant 39 : i32
    %add3A_9 = arith.constant 4992 : i32
    %add3A_10 = arith.addi %mul3A_2, %add3A_9 : i32
    "tpu.region"() ({
      %run_scoped3A = tpu.sem_alloc : memref<!tpu.dma_semaphore, #tpu.memory_space<semaphore_mem>>
      %dma_start3A_15 = tpu.memref_slice %arg3[%add3A_10] : memref<160000xi32, #tpu.memory_space<hbm>> -> memref<8xi32, #tpu.memory_space<hbm>>
      %dma_start3A_16 = tpu.memref_slice %arg3[%add3A_10] : memref<160000xi32, #tpu.memory_space<hbm>> -> memref<8xi32, #tpu.memory_space<hbm>>
      tpu.enqueue_dma source(%dma_start3A_16 : memref<8xi32, #tpu.memory_space<hbm>>) target(%arg7 : memref<8xi32, #tpu.memory_space<vmem>>) target_semaphore(%run_scoped3A : memref<!tpu.dma_semaphore, #tpu.memory_space<semaphore_mem>>)
      %dma_wait3A_17 = tpu.memref_slice %arg3[%add3A_10] : memref<160000xi32, #tpu.memory_space<hbm>> -> memref<8xi32, #tpu.memory_space<hbm>>
      %dma_wait3A_18 = tpu.memref_slice %arg3[%add3A_10] : memref<160000xi32, #tpu.memory_space<hbm>> -> memref<8xi32, #tpu.memory_space<hbm>>
      tpu.wait_dma2 semaphore(%run_scoped3A : memref<!tpu.dma_semaphore, #tpu.memory_space<semaphore_mem>>) src(%dma_wait3A_18 : memref<8xi32, #tpu.memory_space<hbm>>) dst(%arg7 : memref<8xi32, #tpu.memory_space<vmem>>)
      tpu.yield
    }) : () -> ()
    %dma_start3A = arith.constant 0 : i32
    %dma_start3A_11 = arith.constant 0 : i32
    %dma_start3A_12 = tpu.memref_slice %arg2[%dma_start3A, %dma_start3A_11] : memref<10000x64xf32, #tpu.memory_space<hbm>> -> memref<10000x64xf32, #tpu.memory_space<hbm>>
    tpu.enqueue_indirect_dma source(%dma_start3A_12 : memref<10000x64xf32, #tpu.memory_space<hbm>>) target(%arg8 : memref<8x64xf32, #tpu.memory_space<vmem>>) offsets(%arg7 : memref<8xi32, #tpu.memory_space<vmem>>) semaphore(%arg9 : memref<!tpu.dma_semaphore, #tpu.memory_space<semaphore_mem>>)
    %dma_wait3A = arith.constant 0 : i32
    %dma_wait3A_13 = arith.constant 0 : i32
    %dma_wait3A_14 = tpu.memref_slice %arg2[%dma_wait3A, %dma_wait3A_13] : memref<10000x64xf32, #tpu.memory_space<hbm>> -> memref<10000x64xf32, #tpu.memory_space<hbm>>
    tpu.wait_indirect_dma semaphore(%arg9 : memref<!tpu.dma_semaphore, #tpu.memory_space<semaphore_mem>>) src(%dma_wait3A_14 : memref<10000x64xf32, #tpu.memory_space<hbm>>) dst(%arg8 : memref<8x64xf32, #tpu.memory_space<vmem>>)
    "tpu.region"() ({
      %run_scoped3A = tpu.sem_alloc : memref<!tpu.dma_semaphore, #tpu.memory_space<semaphore_mem>>
      %dma_start3A_15 = arith.constant 0 : i32
      %dma_start3A_16 = tpu.memref_slice %arg4[%add3A_10, %dma_start3A_15] : memref<160000x64xf32, #tpu.memory_space<hbm>> -> memref<8x64xf32, #tpu.memory_space<hbm>>
      %dma_start3A_17 = arith.constant 0 : i32
      %dma_start3A_18 = tpu.memref_slice %arg4[%add3A_10, %dma_start3A_17] : memref<160000x64xf32, #tpu.memory_space<hbm>> -> memref<8x64xf32, #tpu.memory_space<hbm>>
      tpu.enqueue_dma source(%arg8 : memref<8x64xf32, #tpu.memory_space<vmem>>) target(%dma_start3A_18 : memref<8x64xf32, #tpu.memory_space<hbm>>) target_semaphore(%run_scoped3A : memref<!tpu.dma_semaphore, #tpu.memory_space<semaphore_mem>>)
      %dma_wait3A_19 = arith.constant 0 : i32
      %dma_wait3A_20 = tpu.memref_slice %arg4[%add3A_10, %dma_wait3A_19] : memref<160000x64xf32, #tpu.memory_space<hbm>> -> memref<8x64xf32, #tpu.memory_space<hbm>>
      %dma_wait3A_21 = arith.constant 0 : i32
      %dma_wait3A_22 = tpu.memref_slice %arg4[%add3A_10, %dma_wait3A_21] : memref<160000x64xf32, #tpu.memory_space<hbm>> -> memref<8x64xf32, #tpu.memory_space<hbm>>
      tpu.wait_dma2 semaphore(%run_scoped3A : memref<!tpu.dma_semaphore, #tpu.memory_space<semaphore_mem>>) src(%arg8 : memref<8x64xf32, #tpu.memory_space<vmem>>) dst(%dma_wait3A_22 : memref<8x64xf32, #tpu.memory_space<hbm>>)
      tpu.yield
    }) : () -> ()
    return
  }
}

#map = affine_map<(d0, d1) -> (0, 0)>
#map1 = affine_map<(d0, d1) -> (0)>
#map2 = affine_map<(d0, d1) -> (0, 0, 0)>
module attributes {stable_mosaic.version = 14 : i64} {
  func.func @_scatter_body(%arg0: i32, %arg1: i32, %arg2: memref<160000x32xf32, #tpu.memory_space<hbm>>, %arg3: memref<160000xi32, #tpu.memory_space<hbm>>, %arg4: memref<626x32xf32, #tpu.memory_space<hbm>>, %arg5: memref<2x10016x32xf32, #tpu.memory_space<hbm>>, %arg6: memref<128xi32, #tpu.memory_space<vmem>>, %arg7: memref<128x32xf32, #tpu.memory_space<vmem>>, %arg8: memref<8xi32, #tpu.memory_space<vmem>>, %arg9: memref<8x32xf32, #tpu.memory_space<vmem>>, %arg10: memref<10016x32xf32, #tpu.memory_space<vmem_shared>>) attributes {dimension_semantics = [#tpu.dimension_semantics<core_parallel>, #tpu.dimension_semantics<subcore_parallel>], iteration_bounds = array<i64: 2, 16>, scalar_prefetch = 0 : i64, scratch_operands = 5 : i64, tpu.core_type = #tpu.core_type<sc_vector_subcore>, window_params = [{transform_indices = #map}, {transform_indices = #map1}, {transform_indices = #map}, {transform_indices = #map2}]} {
    %mul3A = arith.constant 2 : i32
    %mul3A_0 = arith.muli %arg1, %mul3A : i32
    %add3A = arith.addi %mul3A_0, %arg0 : i32
    %mul3A_1 = arith.constant 626 : i32
    %mul3A_2 = arith.muli %arg1, %mul3A_1 : i32
    "tpu.region"() ({
      %run_scoped3A = tpu.sem_alloc : memref<!tpu.dma_semaphore, #tpu.memory_space<semaphore_mem>>
      %dma_start3A = arith.constant 0 : i32
      %dma_start3A_18 = tpu.memref_slice %arg10[%mul3A_2, %dma_start3A] : memref<10016x32xf32, #tpu.memory_space<vmem_shared>> -> memref<626x32xf32, #tpu.memory_space<vmem_shared>>
      tpu.enqueue_dma source(%arg4 : memref<626x32xf32, #tpu.memory_space<hbm>>) target(%dma_start3A_18 : memref<626x32xf32, #tpu.memory_space<vmem_shared>>) target_semaphore(%run_scoped3A : memref<!tpu.dma_semaphore, #tpu.memory_space<semaphore_mem>>)
      %dma_wait3A = arith.constant 0 : i32
      %dma_wait3A_19 = tpu.memref_slice %arg10[%mul3A_2, %dma_wait3A] : memref<10016x32xf32, #tpu.memory_space<vmem_shared>> -> memref<626x32xf32, #tpu.memory_space<vmem_shared>>
      tpu.wait_dma2 semaphore(%run_scoped3A : memref<!tpu.dma_semaphore, #tpu.memory_space<semaphore_mem>>) src(%arg4 : memref<626x32xf32, #tpu.memory_space<hbm>>) dst(%dma_wait3A_19 : memref<626x32xf32, #tpu.memory_space<vmem_shared>>)
      tpu.yield
    }) : () -> ()
    %barrier3A = arith.constant 0 : index
    tpu.barrier barrier_id(%barrier3A)
    %mul3A_3 = arith.constant 5000 : i32
    %mul3A_4 = arith.muli %add3A, %mul3A_3 : i32
    %scan3A = arith.constant 0 : i32
    %scan3A_5 = arith.constant 0 : i32
    %scan3A_6 = arith.constant 39 : i32
    %scan3A_7 = arith.addi %scan3A_5, %scan3A_6 : i32
    %scan3A_8 = arith.constant 1 : i32
    %scan3A_9 = scf.for %scan3A_18 = %scan3A_5 to %scan3A_7 step %scan3A_8 iter_args(%scan3A_19 = %scan3A) -> (i32)  : i32 {
      %mul3A_20 = arith.constant 128 : i32
      %mul3A_21 = arith.muli %scan3A_18, %mul3A_20 : i32
      %add3A_22 = arith.addi %mul3A_4, %mul3A_21 : i32
      "tpu.region"() ({
        %run_scoped3A = tpu.sem_alloc : memref<!tpu.dma_semaphore, #tpu.memory_space<semaphore_mem>>
        %dma_start3A = tpu.memref_slice %arg3[%add3A_22] : memref<160000xi32, #tpu.memory_space<hbm>> -> memref<128xi32, #tpu.memory_space<hbm>>
        %dma_start3A_24 = tpu.memref_slice %arg3[%add3A_22] : memref<160000xi32, #tpu.memory_space<hbm>> -> memref<128xi32, #tpu.memory_space<hbm>>
        tpu.enqueue_dma source(%dma_start3A_24 : memref<128xi32, #tpu.memory_space<hbm>>) target(%arg6 : memref<128xi32, #tpu.memory_space<vmem>>) target_semaphore(%run_scoped3A : memref<!tpu.dma_semaphore, #tpu.memory_space<semaphore_mem>>)
        %dma_wait3A = tpu.memref_slice %arg3[%add3A_22] : memref<160000xi32, #tpu.memory_space<hbm>> -> memref<128xi32, #tpu.memory_space<hbm>>
        %dma_wait3A_25 = tpu.memref_slice %arg3[%add3A_22] : memref<160000xi32, #tpu.memory_space<hbm>> -> memref<128xi32, #tpu.memory_space<hbm>>
        tpu.wait_dma2 semaphore(%run_scoped3A : memref<!tpu.dma_semaphore, #tpu.memory_space<semaphore_mem>>) src(%dma_wait3A_25 : memref<128xi32, #tpu.memory_space<hbm>>) dst(%arg6 : memref<128xi32, #tpu.memory_space<vmem>>)
        tpu.yield
      }) : () -> ()
      "tpu.region"() ({
        %run_scoped3A = tpu.sem_alloc : memref<!tpu.dma_semaphore, #tpu.memory_space<semaphore_mem>>
        %dma_start3A = arith.constant 0 : i32
        %dma_start3A_24 = tpu.memref_slice %arg2[%add3A_22, %dma_start3A] : memref<160000x32xf32, #tpu.memory_space<hbm>> -> memref<128x32xf32, #tpu.memory_space<hbm>>
        %dma_start3A_25 = arith.constant 0 : i32
        %dma_start3A_26 = tpu.memref_slice %arg2[%add3A_22, %dma_start3A_25] : memref<160000x32xf32, #tpu.memory_space<hbm>> -> memref<128x32xf32, #tpu.memory_space<hbm>>
        tpu.enqueue_dma source(%dma_start3A_26 : memref<128x32xf32, #tpu.memory_space<hbm>>) target(%arg7 : memref<128x32xf32, #tpu.memory_space<vmem>>) target_semaphore(%run_scoped3A : memref<!tpu.dma_semaphore, #tpu.memory_space<semaphore_mem>>)
        %dma_wait3A = arith.constant 0 : i32
        %dma_wait3A_27 = tpu.memref_slice %arg2[%add3A_22, %dma_wait3A] : memref<160000x32xf32, #tpu.memory_space<hbm>> -> memref<128x32xf32, #tpu.memory_space<hbm>>
        %dma_wait3A_28 = arith.constant 0 : i32
        %dma_wait3A_29 = tpu.memref_slice %arg2[%add3A_22, %dma_wait3A_28] : memref<160000x32xf32, #tpu.memory_space<hbm>> -> memref<128x32xf32, #tpu.memory_space<hbm>>
        tpu.wait_dma2 semaphore(%run_scoped3A : memref<!tpu.dma_semaphore, #tpu.memory_space<semaphore_mem>>) src(%dma_wait3A_29 : memref<128x32xf32, #tpu.memory_space<hbm>>) dst(%arg7 : memref<128x32xf32, #tpu.memory_space<vmem>>)
        tpu.yield
      }) : () -> ()
      "tpu.region"() ({
        %run_scoped3A = tpu.sem_alloc : memref<!tpu.dma_semaphore, #tpu.memory_space<semaphore_mem>>
        %dma_start3A = arith.constant 0 : i32
        %dma_start3A_24 = arith.constant 0 : i32
        %dma_start3A_25 = tpu.memref_slice %arg10[%dma_start3A, %dma_start3A_24] : memref<10016x32xf32, #tpu.memory_space<vmem_shared>> -> memref<10016x32xf32, #tpu.memory_space<vmem_shared>>
        tpu.enqueue_indirect_dma source(%arg7 : memref<128x32xf32, #tpu.memory_space<vmem>>) target(%dma_start3A_25 : memref<10016x32xf32, #tpu.memory_space<vmem_shared>>) offsets(%arg6 : memref<128xi32, #tpu.memory_space<vmem>>) semaphore(%run_scoped3A : memref<!tpu.dma_semaphore, #tpu.memory_space<semaphore_mem>>) {add = true}
        %dma_wait3A = arith.constant 0 : i32
        %dma_wait3A_26 = arith.constant 0 : i32
        %dma_wait3A_27 = tpu.memref_slice %arg10[%dma_wait3A, %dma_wait3A_26] : memref<10016x32xf32, #tpu.memory_space<vmem_shared>> -> memref<10016x32xf32, #tpu.memory_space<vmem_shared>>
        tpu.wait_indirect_dma semaphore(%run_scoped3A : memref<!tpu.dma_semaphore, #tpu.memory_space<semaphore_mem>>) src(%arg7 : memref<128x32xf32, #tpu.memory_space<vmem>>) dst(%dma_wait3A_27 : memref<10016x32xf32, #tpu.memory_space<vmem_shared>>)
        tpu.yield
      }) : () -> ()
      %scan3A_23 = arith.constant 0 : i32
      scf.yield %scan3A_23 : i32
    }
    %scan3A_10 = arith.constant 39 : i32
    %add3A_11 = arith.constant 4992 : i32
    %add3A_12 = arith.addi %mul3A_4, %add3A_11 : i32
    "tpu.region"() ({
      %run_scoped3A = tpu.sem_alloc : memref<!tpu.dma_semaphore, #tpu.memory_space<semaphore_mem>>
      %dma_start3A = tpu.memref_slice %arg3[%add3A_12] : memref<160000xi32, #tpu.memory_space<hbm>> -> memref<8xi32, #tpu.memory_space<hbm>>
      %dma_start3A_18 = tpu.memref_slice %arg3[%add3A_12] : memref<160000xi32, #tpu.memory_space<hbm>> -> memref<8xi32, #tpu.memory_space<hbm>>
      tpu.enqueue_dma source(%dma_start3A_18 : memref<8xi32, #tpu.memory_space<hbm>>) target(%arg8 : memref<8xi32, #tpu.memory_space<vmem>>) target_semaphore(%run_scoped3A : memref<!tpu.dma_semaphore, #tpu.memory_space<semaphore_mem>>)
      %dma_wait3A = tpu.memref_slice %arg3[%add3A_12] : memref<160000xi32, #tpu.memory_space<hbm>> -> memref<8xi32, #tpu.memory_space<hbm>>
      %dma_wait3A_19 = tpu.memref_slice %arg3[%add3A_12] : memref<160000xi32, #tpu.memory_space<hbm>> -> memref<8xi32, #tpu.memory_space<hbm>>
      tpu.wait_dma2 semaphore(%run_scoped3A : memref<!tpu.dma_semaphore, #tpu.memory_space<semaphore_mem>>) src(%dma_wait3A_19 : memref<8xi32, #tpu.memory_space<hbm>>) dst(%arg8 : memref<8xi32, #tpu.memory_space<vmem>>)
      tpu.yield
    }) : () -> ()
    "tpu.region"() ({
      %run_scoped3A = tpu.sem_alloc : memref<!tpu.dma_semaphore, #tpu.memory_space<semaphore_mem>>
      %dma_start3A = arith.constant 0 : i32
      %dma_start3A_18 = tpu.memref_slice %arg2[%add3A_12, %dma_start3A] : memref<160000x32xf32, #tpu.memory_space<hbm>> -> memref<8x32xf32, #tpu.memory_space<hbm>>
      %dma_start3A_19 = arith.constant 0 : i32
      %dma_start3A_20 = tpu.memref_slice %arg2[%add3A_12, %dma_start3A_19] : memref<160000x32xf32, #tpu.memory_space<hbm>> -> memref<8x32xf32, #tpu.memory_space<hbm>>
      tpu.enqueue_dma source(%dma_start3A_20 : memref<8x32xf32, #tpu.memory_space<hbm>>) target(%arg9 : memref<8x32xf32, #tpu.memory_space<vmem>>) target_semaphore(%run_scoped3A : memref<!tpu.dma_semaphore, #tpu.memory_space<semaphore_mem>>)
      %dma_wait3A = arith.constant 0 : i32
      %dma_wait3A_21 = tpu.memref_slice %arg2[%add3A_12, %dma_wait3A] : memref<160000x32xf32, #tpu.memory_space<hbm>> -> memref<8x32xf32, #tpu.memory_space<hbm>>
      %dma_wait3A_22 = arith.constant 0 : i32
      %dma_wait3A_23 = tpu.memref_slice %arg2[%add3A_12, %dma_wait3A_22] : memref<160000x32xf32, #tpu.memory_space<hbm>> -> memref<8x32xf32, #tpu.memory_space<hbm>>
      tpu.wait_dma2 semaphore(%run_scoped3A : memref<!tpu.dma_semaphore, #tpu.memory_space<semaphore_mem>>) src(%dma_wait3A_23 : memref<8x32xf32, #tpu.memory_space<hbm>>) dst(%arg9 : memref<8x32xf32, #tpu.memory_space<vmem>>)
      tpu.yield
    }) : () -> ()
    "tpu.region"() ({
      %run_scoped3A = tpu.sem_alloc : memref<!tpu.dma_semaphore, #tpu.memory_space<semaphore_mem>>
      %dma_start3A = arith.constant 0 : i32
      %dma_start3A_18 = arith.constant 0 : i32
      %dma_start3A_19 = tpu.memref_slice %arg10[%dma_start3A, %dma_start3A_18] : memref<10016x32xf32, #tpu.memory_space<vmem_shared>> -> memref<10016x32xf32, #tpu.memory_space<vmem_shared>>
      tpu.enqueue_indirect_dma source(%arg9 : memref<8x32xf32, #tpu.memory_space<vmem>>) target(%dma_start3A_19 : memref<10016x32xf32, #tpu.memory_space<vmem_shared>>) offsets(%arg8 : memref<8xi32, #tpu.memory_space<vmem>>) semaphore(%run_scoped3A : memref<!tpu.dma_semaphore, #tpu.memory_space<semaphore_mem>>) {add = true}
      %dma_wait3A = arith.constant 0 : i32
      %dma_wait3A_20 = arith.constant 0 : i32
      %dma_wait3A_21 = tpu.memref_slice %arg10[%dma_wait3A, %dma_wait3A_20] : memref<10016x32xf32, #tpu.memory_space<vmem_shared>> -> memref<10016x32xf32, #tpu.memory_space<vmem_shared>>
      tpu.wait_indirect_dma semaphore(%run_scoped3A : memref<!tpu.dma_semaphore, #tpu.memory_space<semaphore_mem>>) src(%arg9 : memref<8x32xf32, #tpu.memory_space<vmem>>) dst(%dma_wait3A_21 : memref<10016x32xf32, #tpu.memory_space<vmem_shared>>)
      tpu.yield
    }) : () -> ()
    %barrier3A_13 = arith.constant 0 : index
    tpu.barrier barrier_id(%barrier3A_13)
    %mul3A_14 = arith.constant 626 : i32
    %mul3A_15 = arith.muli %arg1, %mul3A_14 : i32
    %mul3A_16 = arith.constant 626 : i32
    %mul3A_17 = arith.muli %arg1, %mul3A_16 : i32
    "tpu.region"() ({
      %run_scoped3A = tpu.sem_alloc : memref<!tpu.dma_semaphore, #tpu.memory_space<semaphore_mem>>
      %dma_start3A = arith.constant 0 : i32
      %dma_start3A_18 = tpu.memref_slice %arg5[%arg0, %mul3A_17, %dma_start3A] : memref<2x10016x32xf32, #tpu.memory_space<hbm>> -> memref<1x626x32xf32, #tpu.memory_space<hbm>>
      %dma_start3A_19 = tpu.memref_squeeze %dma_start3A_18 : memref<1x626x32xf32, #tpu.memory_space<hbm>> -> memref<626x32xf32, #tpu.memory_space<hbm>>
      %dma_start3A_20 = arith.constant 0 : i32
      %dma_start3A_21 = tpu.memref_slice %arg10[%mul3A_15, %dma_start3A_20] : memref<10016x32xf32, #tpu.memory_space<vmem_shared>> -> memref<626x32xf32, #tpu.memory_space<vmem_shared>>
      tpu.enqueue_dma source(%dma_start3A_21 : memref<626x32xf32, #tpu.memory_space<vmem_shared>>) target(%dma_start3A_19 : memref<626x32xf32, #tpu.memory_space<hbm>>) target_semaphore(%run_scoped3A : memref<!tpu.dma_semaphore, #tpu.memory_space<semaphore_mem>>)
      %dma_wait3A = arith.constant 0 : i32
      %dma_wait3A_22 = tpu.memref_slice %arg5[%arg0, %mul3A_17, %dma_wait3A] : memref<2x10016x32xf32, #tpu.memory_space<hbm>> -> memref<1x626x32xf32, #tpu.memory_space<hbm>>
      %dma_wait3A_23 = tpu.memref_squeeze %dma_wait3A_22 : memref<1x626x32xf32, #tpu.memory_space<hbm>> -> memref<626x32xf32, #tpu.memory_space<hbm>>
      %dma_wait3A_24 = arith.constant 0 : i32
      %dma_wait3A_25 = tpu.memref_slice %arg10[%mul3A_15, %dma_wait3A_24] : memref<10016x32xf32, #tpu.memory_space<vmem_shared>> -> memref<626x32xf32, #tpu.memory_space<vmem_shared>>
      tpu.wait_dma2 semaphore(%run_scoped3A : memref<!tpu.dma_semaphore, #tpu.memory_space<semaphore_mem>>) src(%dma_wait3A_25 : memref<626x32xf32, #tpu.memory_space<vmem_shared>>) dst(%dma_wait3A_23 : memref<626x32xf32, #tpu.memory_space<hbm>>)
      tpu.yield
    }) : () -> ()
    return
  }
}

module attributes {stable_mosaic.version = 14 : i64} {
  func.func @_node_prep_body(%arg0: i32, %arg1: memref<2000x32xf32, #tpu.memory_space<vmem>>, %arg2: memref<5x2000xi32, #tpu.memory_space<vmem>>, %arg3: memref<5x2000xi32, #tpu.memory_space<vmem>>, %arg4: memref<256x32xf32, #tpu.memory_space<vmem>>, %arg5: memref<2000x64xf32, #tpu.memory_space<vmem>>) attributes {dimension_semantics = [#tpu.dimension_semantics<arbitrary>], iteration_bounds = array<i64: 5>, scalar_prefetch = 0 : i64, scratch_operands = 0 : i64, tpu.core_type = #tpu.core_type<tc>, window_params = [{transform_indices = @transform_0, window_bounds = array<i64: 2000, 32>}, {pipeline_mode = #tpu.pipeline_mode<synchronous>, transform_indices = @transform_1, window_bounds = array<i64: 5, 2000>}, {pipeline_mode = #tpu.pipeline_mode<synchronous>, transform_indices = @transform_2, window_bounds = array<i64: 5, 2000>}, {pipeline_mode = #tpu.pipeline_mode<synchronous>, transform_indices = @transform_3, window_bounds = array<i64: 256, 32>}, {transform_indices = @transform_4, window_bounds = array<i64: 2000, 64>}]} {
    %get3A = arith.index_cast %arg0 : i32 to index
    %get3A_0 = arith.constant 0 : index
    %get3A_1 = vector.load %arg2[%get3A, %get3A_0] : memref<5x2000xi32, #tpu.memory_space<vmem>>, vector<1x2000xi32>
    %get3A_2 = arith.index_cast %arg0 : i32 to index
    %get3A_3 = arith.constant 0 : index
    %get3A_4 = vector.load %arg3[%get3A_2, %get3A_3] : memref<5x2000xi32, #tpu.memory_space<vmem>>, vector<1x2000xi32>
    %broadcast_in_dim3A = vector.shape_cast %get3A_1 : vector<1x2000xi32> to vector<1x2000xi32>
    %broadcast_in_dim3A_5 = vector.broadcast %broadcast_in_dim3A : vector<1x2000xi32> to vector<128x2000xi32>
    %iota3A = tpu.iota {dimensions = array<i32: 0>} : vector<128x2000xi32>
    %eq3A = arith.cmpi eq, %broadcast_in_dim3A_5, %iota3A : vector<128x2000xi32>
    %convert_element_type3A = arith.extui %eq3A : vector<128x2000xi1> to vector<128x2000xi32>
    %convert_element_type3A_6 = arith.sitofp %convert_element_type3A : vector<128x2000xi32> to vector<128x2000xf32>
    %broadcast_in_dim3A_7 = vector.shape_cast %get3A_4 : vector<1x2000xi32> to vector<1x2000xi32>
    %broadcast_in_dim3A_8 = vector.broadcast %broadcast_in_dim3A_7 : vector<1x2000xi32> to vector<128x2000xi32>
    %iota3A_9 = tpu.iota {dimensions = array<i32: 0>} : vector<128x2000xi32>
    %eq3A_10 = arith.cmpi eq, %broadcast_in_dim3A_8, %iota3A_9 : vector<128x2000xi32>
    %convert_element_type3A_11 = arith.extui %eq3A_10 : vector<128x2000xi1> to vector<128x2000xi32>
    %convert_element_type3A_12 = arith.sitofp %convert_element_type3A_11 : vector<128x2000xi32> to vector<128x2000xf32>
    %concatenate3A = tpu.concatenate %convert_element_type3A_6, %convert_element_type3A_12 in 0 : vector<128x2000xf32>, vector<128x2000xf32> -> vector<256x2000xf32>
    %get3A_13 = arith.constant 0 : index
    %get3A_14 = arith.constant 0 : index
    %get3A_15 = vector.load %arg4[%get3A_13, %get3A_14] : memref<256x32xf32, #tpu.memory_space<vmem>>, vector<256x32xf32>
    %dot_general3A = arith.constant dense<0.000000e+00> : vector<2000x32xf32>
    %dot_general3A_16 = tpu.matmul %concatenate3A, %get3A_15, %dot_general3A {dimension_numbers = #tpu.dot_dimension_numbers<[0], [0], [1], [1], [0, 1, 1, 1], [], []>, transpose_lhs_hint = false} : vector<256x2000xf32>, vector<256x32xf32>, vector<2000x32xf32> -> vector<2000x32xf32>
    %get3A_17 = arith.constant 0 : index
    %get3A_18 = arith.constant 0 : index
    %get3A_19 = vector.load %arg1[%get3A_17, %get3A_18] : memref<2000x32xf32, #tpu.memory_space<vmem>>, vector<2000x32xf32>
    %concatenate3A_20 = tpu.concatenate %get3A_19, %dot_general3A_16 in 1 : vector<2000x32xf32>, vector<2000x32xf32> -> vector<2000x64xf32>
    %swap3A = arith.constant 0 : index
    %swap3A_21 = arith.constant 0 : index
    %swap3A_22 = vector.load %arg5[%swap3A, %swap3A_21] : memref<2000x64xf32, #tpu.memory_space<vmem>>, vector<2000x64xf32>
    tpu.vector_store %arg5[%swap3A, %swap3A_21], %concatenate3A_20 {strides = array<i32>} : memref<2000x64xf32, #tpu.memory_space<vmem>>, vector<2000x64xf32>,
    return
  }
  func.func @transform_0(%arg0: i32) -> (i32, i32) {
    %c0_i32 = arith.constant 0 : i32
    %c0_i32_0 = arith.constant 0 : i32
    return %arg0, %c0_i32 : i32, i32
  }
  func.func @transform_1(%arg0: i32) -> (i32, i32) {
    %c0_i32 = arith.constant 0 : i32
    %c0_i32_0 = arith.constant 0 : i32
    %c0_i32_1 = arith.constant 0 : i32
    return %c0_i32, %c0_i32_0 : i32, i32
  }
  func.func @transform_2(%arg0: i32) -> (i32, i32) {
    %c0_i32 = arith.constant 0 : i32
    %c0_i32_0 = arith.constant 0 : i32
    %c0_i32_1 = arith.constant 0 : i32
    return %c0_i32, %c0_i32_0 : i32, i32
  }
  func.func @transform_3(%arg0: i32) -> (i32, i32) {
    %c0_i32 = arith.constant 0 : i32
    %c0_i32_0 = arith.constant 0 : i32
    %c0_i32_1 = arith.constant 0 : i32
    return %c0_i32, %c0_i32_0 : i32, i32
  }
  func.func @transform_4(%arg0: i32) -> (i32, i32) {
    %c0_i32 = arith.constant 0 : i32
    %c0_i32_0 = arith.constant 0 : i32
    return %arg0, %c0_i32 : i32, i32
  }
}

module attributes {stable_mosaic.version = 14 : i64} {
  func.func @_edge_body(%arg0: i32, %arg1: memref<50x3200xi32, #tpu.memory_space<vmem>>, %arg2: memref<50x3200xi32, #tpu.memory_space<vmem>>, %arg3: memref<50x3200xf32, #tpu.memory_space<vmem>>, %arg4: memref<3200x64xf32, #tpu.memory_space<vmem>>, %arg5: memref<82x64xf32, #tpu.memory_space<vmem>>, %arg6: memref<64x1024xf32, #tpu.memory_space<vmem>>, %arg7: memref<64x16xf32, #tpu.memory_space<vmem>>, %arg8: memref<1024x16xf32, #tpu.memory_space<vmem>>, %arg9: memref<3200x32xf32, #tpu.memory_space<vmem>>) attributes {dimension_semantics = [#tpu.dimension_semantics<arbitrary>], iteration_bounds = array<i64: 50>, scalar_prefetch = 0 : i64, scratch_operands = 0 : i64, tpu.core_type = #tpu.core_type<tc>, window_params = [{pipeline_mode = #tpu.pipeline_mode<synchronous>, transform_indices = @transform_0, window_bounds = array<i64: 50, 3200>}, {pipeline_mode = #tpu.pipeline_mode<synchronous>, transform_indices = @transform_1, window_bounds = array<i64: 50, 3200>}, {pipeline_mode = #tpu.pipeline_mode<synchronous>, transform_indices = @transform_2, window_bounds = array<i64: 50, 3200>}, {transform_indices = @transform_3, window_bounds = array<i64: 3200, 64>}, {pipeline_mode = #tpu.pipeline_mode<synchronous>, transform_indices = @transform_4, window_bounds = array<i64: 82, 64>}, {pipeline_mode = #tpu.pipeline_mode<synchronous>, transform_indices = @transform_5, window_bounds = array<i64: 64, 1024>}, {pipeline_mode = #tpu.pipeline_mode<synchronous>, transform_indices = @transform_6, window_bounds = array<i64: 64, 16>}, {pipeline_mode = #tpu.pipeline_mode<synchronous>, transform_indices = @transform_7, window_bounds = array<i64: 1024, 16>}, {transform_indices = @transform_8, window_bounds = array<i64: 3200, 32>}]} {
    %get3A = arith.index_cast %arg0 : i32 to index
    %get3A_0 = arith.constant 0 : index
    %get3A_1 = vector.load %arg1[%get3A, %get3A_0] : memref<50x3200xi32, #tpu.memory_space<vmem>>, vector<1x3200xi32>
    %get3A_2 = arith.index_cast %arg0 : i32 to index
    %get3A_3 = arith.constant 0 : index
    %get3A_4 = vector.load %arg2[%get3A_2, %get3A_3] : memref<50x3200xi32, #tpu.memory_space<vmem>>, vector<1x3200xi32>
    %get3A_5 = arith.index_cast %arg0 : i32 to index
    %get3A_6 = arith.constant 0 : index
    %get3A_7 = vector.load %arg3[%get3A_5, %get3A_6] : memref<50x3200xf32, #tpu.memory_space<vmem>>, vector<1x3200xf32>
    %broadcast_in_dim3A = vector.shape_cast %get3A_1 : vector<1x3200xi32> to vector<1x3200xi32>
    %broadcast_in_dim3A_8 = vector.broadcast %broadcast_in_dim3A : vector<1x3200xi32> to vector<16x3200xi32>
    %iota3A = tpu.iota {dimensions = array<i32: 0>} : vector<16x3200xi32>
    %eq3A = arith.cmpi eq, %broadcast_in_dim3A_8, %iota3A : vector<16x3200xi32>
    %convert_element_type3A = arith.extui %eq3A : vector<16x3200xi1> to vector<16x3200xi32>
    %convert_element_type3A_9 = arith.sitofp %convert_element_type3A : vector<16x3200xi32> to vector<16x3200xf32>
    %broadcast_in_dim3A_10 = vector.shape_cast %get3A_4 : vector<1x3200xi32> to vector<1x3200xi32>
    %broadcast_in_dim3A_11 = vector.broadcast %broadcast_in_dim3A_10 : vector<1x3200xi32> to vector<64x3200xi32>
    %iota3A_12 = tpu.iota {dimensions = array<i32: 0>} : vector<64x3200xi32>
    %eq3A_13 = arith.cmpi eq, %broadcast_in_dim3A_11, %iota3A_12 : vector<64x3200xi32>
    %convert_element_type3A_14 = arith.extui %eq3A_13 : vector<64x3200xi1> to vector<64x3200xi32>
    %convert_element_type3A_15 = arith.sitofp %convert_element_type3A_14 : vector<64x3200xi32> to vector<64x3200xf32>
    %broadcast_in_dim3A_16 = arith.constant 1.000000e+00 : f32
    %broadcast_in_dim3A_17 = vector.broadcast %broadcast_in_dim3A_16 : f32 to vector<1x3200xf32>
    %concatenate3A = tpu.concatenate %convert_element_type3A_9, %convert_element_type3A_15, %get3A_7, %broadcast_in_dim3A_17 in 0 : vector<16x3200xf32>, vector<64x3200xf32>, vector<1x3200xf32>, vector<1x3200xf32> -> vector<82x3200xf32>
    %get3A_18 = arith.constant 0 : index
    %get3A_19 = arith.constant 0 : index
    %get3A_20 = vector.load %arg5[%get3A_18, %get3A_19] : memref<82x64xf32, #tpu.memory_space<vmem>>, vector<82x64xf32>
    %dot_general3A = arith.constant dense<0.000000e+00> : vector<3200x64xf32>
    %dot_general3A_21 = tpu.matmul %concatenate3A, %get3A_20, %dot_general3A {dimension_numbers = #tpu.dot_dimension_numbers<[0], [0], [1], [1], [0, 1, 1, 1], [], []>, transpose_lhs_hint = false} : vector<82x3200xf32>, vector<82x64xf32>, vector<3200x64xf32> -> vector<3200x64xf32>
    %max3A = arith.constant 0.000000e+00 : f32
    %max3A_22 = vector.broadcast %max3A : f32 to vector<3200x64xf32>
    %max3A_23 = arith.maximumf %dot_general3A_21, %max3A_22 : vector<3200x64xf32>
    %get3A_24 = arith.constant 0 : index
    %get3A_25 = arith.constant 0 : index
    %get3A_26 = vector.load %arg4[%get3A_24, %get3A_25] : memref<3200x64xf32, #tpu.memory_space<vmem>>, vector<3200x64xf32>
    %get3A_27 = arith.constant 0 : index
    %get3A_28 = arith.constant 0 : index
    %get3A_29 = vector.load %arg6[%get3A_27, %get3A_28] : memref<64x1024xf32, #tpu.memory_space<vmem>>, vector<64x1024xf32>
    %dot_general3A_30 = arith.constant dense<0.000000e+00> : vector<3200x1024xf32>
    %dot_general3A_31 = tpu.matmul %max3A_23, %get3A_29, %dot_general3A_30 {dimension_numbers = #tpu.dot_dimension_numbers<[1], [0], [0], [1], [0, 0, 1, 1], [], []>, transpose_lhs_hint = false} : vector<3200x64xf32>, vector<64x1024xf32>, vector<3200x1024xf32> -> vector<3200x1024xf32>
    %get3A_32 = arith.constant 0 : index
    %get3A_33 = arith.constant 0 : index
    %get3A_34 = vector.load %arg7[%get3A_32, %get3A_33] : memref<64x16xf32, #tpu.memory_space<vmem>>, vector<64x16xf32>
    %dot_general3A_35 = arith.constant dense<0.000000e+00> : vector<3200x16xf32>
    %dot_general3A_36 = tpu.matmul %get3A_26, %get3A_34, %dot_general3A_35 {dimension_numbers = #tpu.dot_dimension_numbers<[1], [0], [0], [1], [0, 0, 1, 1], [], []>, transpose_lhs_hint = false} : vector<3200x64xf32>, vector<64x16xf32>, vector<3200x16xf32> -> vector<3200x16xf32>
    %tile3A = tpu.concatenate %get3A_26, %get3A_26, %get3A_26, %get3A_26, %get3A_26, %get3A_26, %get3A_26, %get3A_26, %get3A_26, %get3A_26, %get3A_26, %get3A_26, %get3A_26, %get3A_26, %get3A_26, %get3A_26 in 1 : vector<3200x64xf32>, vector<3200x64xf32>, vector<3200x64xf32>, vector<3200x64xf32>, vector<3200x64xf32>, vector<3200x64xf32>, vector<3200x64xf32>, vector<3200x64xf32>, vector<3200x64xf32>, vector<3200x64xf32>, vector<3200x64xf32>, vector<3200x64xf32>, vector<3200x64xf32>, vector<3200x64xf32>, vector<3200x64xf32>, vector<3200x64xf32> -> vector<3200x1024xf32>
    %mul3A = arith.mulf %dot_general3A_31, %tile3A : vector<3200x1024xf32>
    %get3A_37 = arith.constant 0 : index
    %get3A_38 = arith.constant 0 : index
    %get3A_39 = vector.load %arg8[%get3A_37, %get3A_38] : memref<1024x16xf32, #tpu.memory_space<vmem>>, vector<1024x16xf32>
    %dot_general3A_40 = arith.constant dense<0.000000e+00> : vector<3200x16xf32>
    %dot_general3A_41 = tpu.matmul %mul3A, %get3A_39, %dot_general3A_40 {dimension_numbers = #tpu.dot_dimension_numbers<[1], [0], [0], [1], [0, 0, 1, 1], [], []>, transpose_lhs_hint = false} : vector<3200x1024xf32>, vector<1024x16xf32>, vector<3200x16xf32> -> vector<3200x16xf32>
    %add3A = arith.addf %dot_general3A_36, %dot_general3A_41 : vector<3200x16xf32>
    %iota3A_42 = tpu.iota {dimensions = array<i32: 1>} : vector<3200x16xi32>
    %eq3A_43 = arith.constant 0 : i32
    %eq3A_44 = vector.broadcast %eq3A_43 : i32 to vector<3200x16xi32>
    %eq3A_45 = arith.cmpi eq, %iota3A_42, %eq3A_44 : vector<3200x16xi32>
    %convert_element_type3A_46 = arith.extui %eq3A_45 : vector<3200x16xi1> to vector<3200x16xi32>
    %convert_element_type3A_47 = arith.sitofp %convert_element_type3A_46 : vector<3200x16xi32> to vector<3200x16xf32>
    %concatenate3A_48 = tpu.concatenate %add3A, %convert_element_type3A_47 in 1 : vector<3200x16xf32>, vector<3200x16xf32> -> vector<3200x32xf32>
    %swap3A = arith.constant 0 : index
    %swap3A_49 = arith.constant 0 : index
    %swap3A_50 = vector.load %arg9[%swap3A, %swap3A_49] : memref<3200x32xf32, #tpu.memory_space<vmem>>, vector<3200x32xf32>
    tpu.vector_store %arg9[%swap3A, %swap3A_49], %concatenate3A_48 {strides = array<i32>} : memref<3200x32xf32, #tpu.memory_space<vmem>>, vector<3200x32xf32>,
    return
  }
  func.func @transform_0(%arg0: i32) -> (i32, i32) {
    %c0_i32 = arith.constant 0 : i32
    %c0_i32_0 = arith.constant 0 : i32
    %c0_i32_1 = arith.constant 0 : i32
    return %c0_i32, %c0_i32_0 : i32, i32
  }
  func.func @transform_1(%arg0: i32) -> (i32, i32) {
    %c0_i32 = arith.constant 0 : i32
    %c0_i32_0 = arith.constant 0 : i32
    %c0_i32_1 = arith.constant 0 : i32
    return %c0_i32, %c0_i32_0 : i32, i32
  }
  func.func @transform_2(%arg0: i32) -> (i32, i32) {
    %c0_i32 = arith.constant 0 : i32
    %c0_i32_0 = arith.constant 0 : i32
    %c0_i32_1 = arith.constant 0 : i32
    return %c0_i32, %c0_i32_0 : i32, i32
  }
  func.func @transform_3(%arg0: i32) -> (i32, i32) {
    %c0_i32 = arith.constant 0 : i32
    %c0_i32_0 = arith.constant 0 : i32
    return %arg0, %c0_i32 : i32, i32
  }
  func.func @transform_4(%arg0: i32) -> (i32, i32) {
    %c0_i32 = arith.constant 0 : i32
    %c0_i32_0 = arith.constant 0 : i32
    %c0_i32_1 = arith.constant 0 : i32
    return %c0_i32, %c0_i32_0 : i32, i32
  }
  func.func @transform_5(%arg0: i32) -> (i32, i32) {
    %c0_i32 = arith.constant 0 : i32
    %c0_i32_0 = arith.constant 0 : i32
    %c0_i32_1 = arith.constant 0 : i32
    return %c0_i32, %c0_i32_0 : i32, i32
  }
  func.func @transform_6(%arg0: i32) -> (i32, i32) {
    %c0_i32 = arith.constant 0 : i32
    %c0_i32_0 = arith.constant 0 : i32
    %c0_i32_1 = arith.constant 0 : i32
    return %c0_i32, %c0_i32_0 : i32, i32
  }
  func.func @transform_7(%arg0: i32) -> (i32, i32) {
    %c0_i32 = arith.constant 0 : i32
    %c0_i32_0 = arith.constant 0 : i32
    %c0_i32_1 = arith.constant 0 : i32
    return %c0_i32, %c0_i32_0 : i32, i32
  }
  func.func @transform_8(%arg0: i32) -> (i32, i32) {
    %c0_i32 = arith.constant 0 : i32
    %c0_i32_0 = arith.constant 0 : i32
    return %arg0, %c0_i32 : i32, i32
  }
}

module attributes {stable_mosaic.version = 14 : i64} {
  func.func @_final_body(%arg0: i32, %arg1: memref<2000x32xf32, #tpu.memory_space<vmem>>, %arg2: memref<2000x32xf32, #tpu.memory_space<vmem>>, %arg3: memref<2000x64xf32, #tpu.memory_space<vmem>>, %arg4: memref<64x16xf32, #tpu.memory_space<vmem>>, %arg5: memref<1x16xf32, #tpu.memory_space<vmem>>, %arg6: memref<16x16xf32, #tpu.memory_space<vmem>>, %arg7: memref<1x16xf32, #tpu.memory_space<vmem>>, %arg8: memref<16x10xf32, #tpu.memory_space<vmem>>, %arg9: memref<1x10xf32, #tpu.memory_space<vmem>>, %arg10: memref<16x64xf32, #tpu.memory_space<vmem>>, %arg11: memref<1x64xf32, #tpu.memory_space<vmem>>, %arg12: memref<16x32xf32, #tpu.memory_space<vmem>>, %arg13: memref<1x32xf32, #tpu.memory_space<vmem>>, %arg14: memref<2000x16xf32, #tpu.memory_space<vmem>>, %arg15: memref<2000x10xf32, #tpu.memory_space<vmem>>, %arg16: memref<2000x64xf32, #tpu.memory_space<vmem>>, %arg17: memref<2000x32xf32, #tpu.memory_space<vmem>>) attributes {dimension_semantics = [#tpu.dimension_semantics<arbitrary>], iteration_bounds = array<i64: 5>, scalar_prefetch = 0 : i64, scratch_operands = 0 : i64, tpu.core_type = #tpu.core_type<tc>, window_params = [{transform_indices = @transform_0, window_bounds = array<i64: 2000, 32>}, {transform_indices = @transform_1, window_bounds = array<i64: 2000, 32>}, {transform_indices = @transform_2, window_bounds = array<i64: 2000, 64>}, {pipeline_mode = #tpu.pipeline_mode<synchronous>, transform_indices = @transform_3, window_bounds = array<i64: 64, 16>}, {pipeline_mode = #tpu.pipeline_mode<synchronous>, transform_indices = @transform_4, window_bounds = array<i64: 1, 16>}, {pipeline_mode = #tpu.pipeline_mode<synchronous>, transform_indices = @transform_5, window_bounds = array<i64: 16, 16>}, {pipeline_mode = #tpu.pipeline_mode<synchronous>, transform_indices = @transform_6, window_bounds = array<i64: 1, 16>}, {pipeline_mode = #tpu.pipeline_mode<synchronous>, transform_indices = @transform_7, window_bounds = array<i64: 16, 10>}, {pipeline_mode = #tpu.pipeline_mode<synchronous>, transform_indices = @transform_8, window_bounds = array<i64: 1, 10>}, {pipeline_mode = #tpu.pipeline_mode<synchronous>, transform_indices = @transform_9, window_bounds = array<i64: 16, 64>}, {pipeline_mode = #tpu.pipeline_mode<synchronous>, transform_indices = @transform_10, window_bounds = array<i64: 1, 64>}, {pipeline_mode = #tpu.pipeline_mode<synchronous>, transform_indices = @transform_11, window_bounds = array<i64: 16, 32>}, {pipeline_mode = #tpu.pipeline_mode<synchronous>, transform_indices = @transform_12, window_bounds = array<i64: 1, 32>}, {transform_indices = @transform_13, window_bounds = array<i64: 2000, 16>}, {transform_indices = @transform_14, window_bounds = array<i64: 2000, 10>}, {transform_indices = @transform_15, window_bounds = array<i64: 2000, 64>}, {transform_indices = @transform_16, window_bounds = array<i64: 2000, 32>}]} {
    %get3A = arith.constant 0 : index
    %get3A_0 = arith.constant 0 : index
    %get3A_1 = vector.load %arg1[%get3A, %get3A_0] : memref<2000x32xf32, #tpu.memory_space<vmem>>, vector<2000x32xf32>
    %get3A_2 = arith.constant 0 : index
    %get3A_3 = arith.constant 0 : index
    %get3A_4 = vector.load %arg2[%get3A_2, %get3A_3] : memref<2000x32xf32, #tpu.memory_space<vmem>>, vector<2000x32xf32>
    %add3A = arith.addf %get3A_1, %get3A_4 : vector<2000x32xf32>
    %slice3A = vector.extract_strided_slice %add3A {offsets = [0, 0], sizes = [2000, 16], strides = [1, 1]} : vector<2000x32xf32> to vector<2000x16xf32>
    %slice3A_5 = vector.extract_strided_slice %add3A {offsets = [0, 16], sizes = [2000, 1], strides = [1, 1]} : vector<2000x32xf32> to vector<2000x1xf32>
    %max3A = arith.constant 1.000000e+00 : f32
    %max3A_6 = vector.broadcast %max3A : f32 to vector<2000x1xf32>
    %max3A_7 = arith.maximumf %slice3A_5, %max3A_6 : vector<2000x1xf32>
    %div3A = vector.broadcast %max3A_7 : vector<2000x1xf32> to vector<2000x16xf32>
    %div3A_8 = arith.divf %slice3A, %div3A : vector<2000x16xf32>
    %get3A_9 = arith.constant 0 : index
    %get3A_10 = arith.constant 0 : index
    %get3A_11 = vector.load %arg3[%get3A_9, %get3A_10] : memref<2000x64xf32, #tpu.memory_space<vmem>>, vector<2000x64xf32>
    %get3A_12 = arith.constant 0 : index
    %get3A_13 = arith.constant 0 : index
    %get3A_14 = vector.load %arg4[%get3A_12, %get3A_13] : memref<64x16xf32, #tpu.memory_space<vmem>>, vector<64x16xf32>
    %dot_general3A = arith.constant dense<0.000000e+00> : vector<2000x16xf32>
    %dot_general3A_15 = tpu.matmul %get3A_11, %get3A_14, %dot_general3A {dimension_numbers = #tpu.dot_dimension_numbers<[1], [0], [0], [1], [0, 0, 1, 1], [], []>, transpose_lhs_hint = false} : vector<2000x64xf32>, vector<64x16xf32>, vector<2000x16xf32> -> vector<2000x16xf32>
    %add3A_16 = arith.addf %div3A_8, %dot_general3A_15 : vector<2000x16xf32>
    %get3A_17 = arith.constant 0 : index
    %get3A_18 = arith.constant 0 : index
    %get3A_19 = vector.load %arg5[%get3A_17, %get3A_18] : memref<1x16xf32, #tpu.memory_space<vmem>>, vector<1x16xf32>
    %add3A_20 = vector.broadcast %get3A_19 : vector<1x16xf32> to vector<2000x16xf32>
    %add3A_21 = arith.addf %add3A_16, %add3A_20 : vector<2000x16xf32>
    %max3A_22 = arith.constant 0.000000e+00 : f32
    %max3A_23 = vector.broadcast %max3A_22 : f32 to vector<2000x16xf32>
    %max3A_24 = arith.maximumf %add3A_21, %max3A_23 : vector<2000x16xf32>
    %get3A_25 = arith.constant 0 : index
    %get3A_26 = arith.constant 0 : index
    %get3A_27 = vector.load %arg6[%get3A_25, %get3A_26] : memref<16x16xf32, #tpu.memory_space<vmem>>, vector<16x16xf32>
    %dot_general3A_28 = arith.constant dense<0.000000e+00> : vector<2000x16xf32>
    %dot_general3A_29 = tpu.matmul %max3A_24, %get3A_27, %dot_general3A_28 {dimension_numbers = #tpu.dot_dimension_numbers<[1], [0], [0], [1], [0, 0, 1, 1], [], []>, transpose_lhs_hint = false} : vector<2000x16xf32>, vector<16x16xf32>, vector<2000x16xf32> -> vector<2000x16xf32>
    %get3A_30 = arith.constant 0 : index
    %get3A_31 = arith.constant 0 : index
    %get3A_32 = vector.load %arg7[%get3A_30, %get3A_31] : memref<1x16xf32, #tpu.memory_space<vmem>>, vector<1x16xf32>
    %add3A_33 = vector.broadcast %get3A_32 : vector<1x16xf32> to vector<2000x16xf32>
    %add3A_34 = arith.addf %dot_general3A_29, %add3A_33 : vector<2000x16xf32>
    %swap3A = arith.constant 0 : index
    %swap3A_35 = arith.constant 0 : index
    %swap3A_36 = vector.load %arg14[%swap3A, %swap3A_35] : memref<2000x16xf32, #tpu.memory_space<vmem>>, vector<2000x16xf32>
    tpu.vector_store %arg14[%swap3A, %swap3A_35], %add3A_34 {strides = array<i32>} : memref<2000x16xf32, #tpu.memory_space<vmem>>, vector<2000x16xf32>,
    %get3A_37 = arith.constant 0 : index
    %get3A_38 = arith.constant 0 : index
    %get3A_39 = vector.load %arg8[%get3A_37, %get3A_38] : memref<16x10xf32, #tpu.memory_space<vmem>>, vector<16x10xf32>
    %dot_general3A_40 = arith.constant dense<0.000000e+00> : vector<2000x10xf32>
    %dot_general3A_41 = tpu.matmul %max3A_24, %get3A_39, %dot_general3A_40 {dimension_numbers = #tpu.dot_dimension_numbers<[1], [0], [0], [1], [0, 0, 1, 1], [], []>, transpose_lhs_hint = false} : vector<2000x16xf32>, vector<16x10xf32>, vector<2000x10xf32> -> vector<2000x10xf32>
    %get3A_42 = arith.constant 0 : index
    %get3A_43 = arith.constant 0 : index
    %get3A_44 = vector.load %arg9[%get3A_42, %get3A_43] : memref<1x10xf32, #tpu.memory_space<vmem>>, vector<1x10xf32>
    %add3A_45 = vector.broadcast %get3A_44 : vector<1x10xf32> to vector<2000x10xf32>
    %add3A_46 = arith.addf %dot_general3A_41, %add3A_45 : vector<2000x10xf32>
    %swap3A_47 = arith.constant 0 : index
    %swap3A_48 = arith.constant 0 : index
    %swap3A_49 = vector.load %arg15[%swap3A_47, %swap3A_48] : memref<2000x10xf32, #tpu.memory_space<vmem>>, vector<2000x10xf32>
    tpu.vector_store %arg15[%swap3A_47, %swap3A_48], %add3A_46 {strides = array<i32>} : memref<2000x10xf32, #tpu.memory_space<vmem>>, vector<2000x10xf32>,
    %get3A_50 = arith.constant 0 : index
    %get3A_51 = arith.constant 0 : index
    %get3A_52 = vector.load %arg10[%get3A_50, %get3A_51] : memref<16x64xf32, #tpu.memory_space<vmem>>, vector<16x64xf32>
    %dot_general3A_53 = arith.constant dense<0.000000e+00> : vector<2000x64xf32>
    %dot_general3A_54 = tpu.matmul %max3A_24, %get3A_52, %dot_general3A_53 {dimension_numbers = #tpu.dot_dimension_numbers<[1], [0], [0], [1], [0, 0, 1, 1], [], []>, transpose_lhs_hint = false} : vector<2000x16xf32>, vector<16x64xf32>, vector<2000x64xf32> -> vector<2000x64xf32>
    %get3A_55 = arith.constant 0 : index
    %get3A_56 = arith.constant 0 : index
    %get3A_57 = vector.load %arg11[%get3A_55, %get3A_56] : memref<1x64xf32, #tpu.memory_space<vmem>>, vector<1x64xf32>
    %add3A_58 = vector.broadcast %get3A_57 : vector<1x64xf32> to vector<2000x64xf32>
    %add3A_59 = arith.addf %dot_general3A_54, %add3A_58 : vector<2000x64xf32>
    %swap3A_60 = arith.constant 0 : index
    %swap3A_61 = arith.constant 0 : index
    %swap3A_62 = vector.load %arg16[%swap3A_60, %swap3A_61] : memref<2000x64xf32, #tpu.memory_space<vmem>>, vector<2000x64xf32>
    tpu.vector_store %arg16[%swap3A_60, %swap3A_61], %add3A_59 {strides = array<i32>} : memref<2000x64xf32, #tpu.memory_space<vmem>>, vector<2000x64xf32>,
    %get3A_63 = arith.constant 0 : index
    %get3A_64 = arith.constant 0 : index
    %get3A_65 = vector.load %arg12[%get3A_63, %get3A_64] : memref<16x32xf32, #tpu.memory_space<vmem>>, vector<16x32xf32>
    %dot_general3A_66 = arith.constant dense<0.000000e+00> : vector<2000x32xf32>
    %dot_general3A_67 = tpu.matmul %max3A_24, %get3A_65, %dot_general3A_66 {dimension_numbers = #tpu.dot_dimension_numbers<[1], [0], [0], [1], [0, 0, 1, 1], [], []>, transpose_lhs_hint = false} : vector<2000x16xf32>, vector<16x32xf32>, vector<2000x32xf32> -> vector<2000x32xf32>
    %get3A_68 = arith.constant 0 : index
    %get3A_69 = arith.constant 0 : index
    %get3A_70 = vector.load %arg13[%get3A_68, %get3A_69] : memref<1x32xf32, #tpu.memory_space<vmem>>, vector<1x32xf32>
    %add3A_71 = vector.broadcast %get3A_70 : vector<1x32xf32> to vector<2000x32xf32>
    %add3A_72 = arith.addf %dot_general3A_67, %add3A_71 : vector<2000x32xf32>
    %swap3A_73 = arith.constant 0 : index
    %swap3A_74 = arith.constant 0 : index
    %swap3A_75 = vector.load %arg17[%swap3A_73, %swap3A_74] : memref<2000x32xf32, #tpu.memory_space<vmem>>, vector<2000x32xf32>
    tpu.vector_store %arg17[%swap3A_73, %swap3A_74], %add3A_72 {strides = array<i32>} : memref<2000x32xf32, #tpu.memory_space<vmem>>, vector<2000x32xf32>,
    return
  }
  func.func @transform_0(%arg0: i32) -> (i32, i32) {
    %c0_i32 = arith.constant 0 : i32
    %c0_i32_0 = arith.constant 0 : i32
    return %arg0, %c0_i32 : i32, i32
  }
  func.func @transform_1(%arg0: i32) -> (i32, i32) {
    %c0_i32 = arith.constant 0 : i32
    %c0_i32_0 = arith.constant 0 : i32
    return %arg0, %c0_i32 : i32, i32
  }
  func.func @transform_2(%arg0: i32) -> (i32, i32) {
    %c0_i32 = arith.constant 0 : i32
    %c0_i32_0 = arith.constant 0 : i32
    return %arg0, %c0_i32 : i32, i32
  }
  func.func @transform_3(%arg0: i32) -> (i32, i32) {
    %c0_i32 = arith.constant 0 : i32
    %c0_i32_0 = arith.constant 0 : i32
    %c0_i32_1 = arith.constant 0 : i32
    return %c0_i32, %c0_i32_0 : i32, i32
  }
  func.func @transform_4(%arg0: i32) -> (i32, i32) {
    %c0_i32 = arith.constant 0 : i32
    %c0_i32_0 = arith.constant 0 : i32
    %c0_i32_1 = arith.constant 0 : i32
    return %c0_i32, %c0_i32_0 : i32, i32
  }
  func.func @transform_5(%arg0: i32) -> (i32, i32) {
    %c0_i32 = arith.constant 0 : i32
    %c0_i32_0 = arith.constant 0 : i32
    %c0_i32_1 = arith.constant 0 : i32
    return %c0_i32, %c0_i32_0 : i32, i32
  }
  func.func @transform_6(%arg0: i32) -> (i32, i32) {
    %c0_i32 = arith.constant 0 : i32
    %c0_i32_0 = arith.constant 0 : i32
    %c0_i32_1 = arith.constant 0 : i32
    return %c0_i32, %c0_i32_0 : i32, i32
  }
  func.func @transform_7(%arg0: i32) -> (i32, i32) {
    %c0_i32 = arith.constant 0 : i32
    %c0_i32_0 = arith.constant 0 : i32
    %c0_i32_1 = arith.constant 0 : i32
    return %c0_i32, %c0_i32_0 : i32, i32
  }
  func.func @transform_8(%arg0: i32) -> (i32, i32) {
    %c0_i32 = arith.constant 0 : i32
    %c0_i32_0 = arith.constant 0 : i32
    %c0_i32_1 = arith.constant 0 : i32
    return %c0_i32, %c0_i32_0 : i32, i32
  }
  func.func @transform_9(%arg0: i32) -> (i32, i32) {
    %c0_i32 = arith.constant 0 : i32
    %c0_i32_0 = arith.constant 0 : i32
    %c0_i32_1 = arith.constant 0 : i32
    return %c0_i32, %c0_i32_0 : i32, i32
  }
  func.func @transform_10(%arg0: i32) -> (i32, i32) {
    %c0_i32 = arith.constant 0 : i32
    %c0_i32_0 = arith.constant 0 : i32
    %c0_i32_1 = arith.constant 0 : i32
    return %c0_i32, %c0_i32_0 : i32, i32
  }
  func.func @transform_11(%arg0: i32) -> (i32, i32) {
    %c0_i32 = arith.constant 0 : i32
    %c0_i32_0 = arith.constant 0 : i32
    %c0_i32_1 = arith.constant 0 : i32
    return %c0_i32, %c0_i32_0 : i32, i32
  }
  func.func @transform_12(%arg0: i32) -> (i32, i32) {
    %c0_i32 = arith.constant 0 : i32
    %c0_i32_0 = arith.constant 0 : i32
    %c0_i32_1 = arith.constant 0 : i32
    return %c0_i32, %c0_i32_0 : i32, i32
  }
  func.func @transform_13(%arg0: i32) -> (i32, i32) {
    %c0_i32 = arith.constant 0 : i32
    %c0_i32_0 = arith.constant 0 : i32
    return %arg0, %c0_i32 : i32, i32
  }
  func.func @transform_14(%arg0: i32) -> (i32, i32) {
    %c0_i32 = arith.constant 0 : i32
    %c0_i32_0 = arith.constant 0 : i32
    return %arg0, %c0_i32 : i32, i32
  }
  func.func @transform_15(%arg0: i32) -> (i32, i32) {
    %c0_i32 = arith.constant 0 : i32
    %c0_i32_0 = arith.constant 0 : i32
    return %arg0, %c0_i32 : i32, i32
  }
  func.func @transform_16(%arg0: i32) -> (i32, i32) {
    %c0_i32 = arith.constant 0 : i32
    %c0_i32_0 = arith.constant 0 : i32
    return %arg0, %c0_i32 : i32, i32
  }
}

</mosaic_0001>

<sc_bundles>
// kernel: kernel.10.cloned.1.call-start
scs
__scs_entry_jumppad:
0x0: {  	(pc) =	sbr.rel $0x88, $3  }
0x1: {  	(tag) =	ssettag $0x0;
	lr =	simm.s32 $0x1  }
0x2: {  	[smem:$0x3F88] =	sst lr;
	_ =	strace $0xD0000000  }
0x3: {  	_ = 	snop  }
0x4: {  	_ = 	snop  }
0x5: {  	_ = 	snop  }
0x6: {  	_ = 	snop  }
0x7: {  	_ = 	snop  }
__scs_overlays_trampoline_lowered:
0x8: {  	[smem:$0x3F97] =	sst s0  }
0x9: {  	[smem:$0x3F98] =	sst s1  }
0xa: {  	[smem:$0x3F99] =	sst s2  }
0xb: {  	[smem:$0x3F9A] =	sst s3  }
0xc: {  	[smem:$0x3F9B] =	sst s4  }
0xd: {  	[smem:$0x3F9C] =	sst s5  }
0xe: {  	[smem:$0x3F9D] =	sst s6  }
0xf: {  	[smem:$0x3F9E] =	sst s7  }
0x10: {  	[smem:$0x3F9F] =	sst s8  }
0x11: {  	[smem:$0x3FA0] =	sst s9;
	s0 =	simm.s32 @!p0 $0x0  }
0x12: {  	s1 =	sld [smem:$0x3F86];
	s0 =	simm.s32 @p0 $0x1  }
0x13: {  	[smem:$0x3FA1] =	sst s0;
	s0 =	simm.s32 @!p1 $0x0  }
0x14: {  	s2 =	sld [smem:$0x3F85];
	s0 =	simm.s32 @p1 $0x1  }
0x15: {  	[smem:$0x3FA2] =	sst s0;
	s0 =	simm.s32 @!p2 $0x0  }
0x16: {  	s3 =	sld [smem:$0x3FDB];
	s0 =	simm.s32 @p2 $0x1  }
0x17: {  	s4 =	simm.s32 $0x1BF5;
	[smem:$0x3FA4] =	sst s0  }
0x18: {  	s0 =	sld [smem:$0x3F87];
	_ =	swait.ge [sflag:s4], $0x0  }
0x19: {  	s7 =	sld [smem:$0x3F88]  }
0x1a: {  	s8 =	sadd.s32 $0xFFFFE003, lr  }
0x1b: {  	s9 =	sadd.s32 $0xFFFFFEF7, lr;
	s5 =	simm.s32 $0xFFFFFFFF;
	p2 =	slt.u32 s8, $0xFFFFF086  }
0x1c: {  	p1 =	slt.u32 s9, $0xF7A;
	s5 =	simm.s32 @!p2 $0x0  }
0x1d: {  	s5 =	simm.s32 @p1 $0x1;
	p0 =	seq.s32 s7, s2  }
0x1e: {  	s7 =	smul.u32 @!p0 $0xF7A, s2;
	p2 =	seq.s32 @!p0 s5, $0x0  }
0x1f: {  	s9 =	smul.u32 $0xF7A, s1;
	s8 =	simm.s32 @!p0 $0x1BF5;
	p2 =	por !p2, p0  }
0x20: {  	[sflag:s8] =	ssyncset.s32 @!p0 $0xFFFFF086;
	s6 =	sadd.s32 @!p0 s3, s7;
	s7 =	simm.s32 @!p0 $0x108  }
0x21: {  	s3 =	sadd.s32 s3, s9;
	s6 =	sadd.s32 @!p0 $0x88, s6;
	s7 =	simm.s32 @p2 $0x1082  }
0x22: {  	[simem:s7], [sflag:s8] =	dma.local @!p0 [hbm:s6], $0xF7A  }
0x23: {  	s9 =	sor.u32 $0xD0000000, s2;
	s6 =	simm.s32 $0x108;
	_ =	swait.ge @!p0 [sflag:s8], $0x0  }
0x24: {  	s3 =	sadd.s32 $0x88, s3;
	s6 =	simm.s32 @!p1 $0x1082;
	[sflag:s4] =	ssyncset.s32 $0xFFFFF086  }
0x25: {  	[simem:s6], [sflag:s4] =	dma.local [hbm:s3], $0xF7A  }
0x26: {  	[smem:$0x3F88] =	sst s1;
	(tag) =	ssettag s2;
	_ =	strace s9  }
0x27: {  	s1 =	sld [smem:$0x3F98]  }
0x28: {  	s2 =	sld [smem:$0x3F99]  }
0x29: {  	s4 =	sld [smem:$0x3F9B]  }
0x2a: {  	p0 =	seq.s32 s5, $0x0;
	s5 =	sld [smem:$0x3F9C]  }
0x2b: {  	s6 =	sld [smem:$0x3F9D]  }
0x2c: {  	s7 =	sld [smem:$0x3F9E]  }
0x2d: {  	s3 =	simm.s32 $0x108;
	s8 =	sld [smem:$0x3F9F]  }
0x2e: {  	s3 =	simm.s32 @!p0 $0x1082;
	s9 =	sld [smem:$0x3FA0]  }
0x2f: {  	lr =	sadd.s32 s0, s3;
	s0 =	sld [smem:$0x3F97]  }
0x30: {  	s3 =	sld [smem:$0x3F9A]  }
0x31: {  	[smem:$0x3FA3] =	sst s10  }
0x32: {  	s10 =	sld [smem:$0x3FA1];
	_ =	sdelay $0x3  }
0x33: {  	p0 =	seq.s32 s10, $0x1;
	s10 =	sld [smem:$0x3FA3];
	_ =	sdelay $0x3  }
0x34: {  	[smem:$0x3FA3] =	sst s10  }
0x35: {  	s10 =	sld [smem:$0x3FA2];
	_ =	sdelay $0x3  }
0x36: {  	p1 =	seq.s32 s10, $0x1;
	s10 =	sld [smem:$0x3FA3];
	_ =	sdelay $0x3  }
0x37: {  	[smem:$0x3FA3] =	sst s10  }
0x38: {  	s10 =	sld [smem:$0x3FA4]  }
0x39: {  	_ = 	snop;
	(pc) =	sbr.ind lr, $3  }
0x3a: {  	_ = 	snop  }
0x3b: {  	_ = 	snop  }
0x3c: {  	p2 =	seq.s32 s10, $0x1;
	s10 =	sld [smem:$0x3FA3]  }
0x3d: {  	_ =	shalt  }
0x3e: {  	_ =	shalt  }
0x3f: {  	_ =	shalt  }
0x40: {  	_ =	shalt  }
0x41: {  	_ =	shalt  }
0x42: {  	_ =	shalt  }
0x43: {  	_ =	shalt  }
0x44: {  	_ =	shalt  }
0x45: {  	_ =	shalt  }
0x46: {  	_ =	shalt  }
0x47: {  	_ =	shalt  }
0x48: {  	_ =	shalt  }
0x49: {  	_ =	shalt  }
0x4a: {  	_ =	shalt  }
0x4b: {  	_ =	shalt  }
0x4c: {  	_ =	shalt  }
0x4d: {  	_ =	shalt  }
0x4e: {  	_ =	shalt  }
0x4f: {  	_ =	shalt  }
0x50: {  	_ =	shalt  }
0x51: {  	_ =	shalt  }
0x52: {  	_ =	shalt  }
0x53: {  	_ =	shalt  }
0x54: {  	_ =	shalt  }
0x55: {  	_ =	shalt  }
0x56: {  	_ =	shalt  }
0x57: {  	_ =	shalt  }
0x58: {  	_ =	shalt  }
0x59: {  	_ =	shalt  }
0x5a: {  	_ =	shalt  }
0x5b: {  	_ =	shalt  }
0x5c: {  	_ =	shalt  }
0x5d: {  	_ =	shalt  }
0x5e: {  	_ =	shalt  }
0x5f: {  	_ =	shalt  }
0x60: {  	_ =	shalt  }
0x61: {  	_ =	shalt  }
0x62: {  	_ =	shalt  }
0x63: {  	_ =	shalt  }
0x64: {  	_ =	shalt  }
0x65: {  	_ =	shalt  }
0x66: {  	_ =	shalt  }
0x67: {  	_ =	shalt  }
0x68: {  	_ =	shalt  }
0x69: {  	_ =	shalt  }
0x6a: {  	_ =	shalt  }
0x6b: {  	_ =	shalt  }
0x6c: {  	_ =	shalt  }
0x6d: {  	_ =	shalt  }
0x6e: {  	_ =	shalt  }
0x6f: {  	_ =	shalt  }
0x70: {  	_ =	shalt  }
0x71: {  	_ =	shalt  }
0x72: {  	_ =	shalt  }
0x73: {  	_ =	shalt  }
0x74: {  	_ =	shalt  }
0x75: {  	_ =	shalt  }
0x76: {  	_ =	shalt  }
0x77: {  	_ =	shalt  }
0x78: {  	_ =	shalt  }
0x79: {  	_ =	shalt  }
0x7a: {  	_ =	shalt  }
0x7b: {  	_ =	shalt  }
0x7c: {  	_ =	shalt  }
0x7d: {  	_ =	shalt  }
0x7e: {  	_ =	shalt  }
0x7f: {  	_ =	shalt  }
0x80: {  	_ =	shalt  }
0x81: {  	_ =	shalt  }
0x82: {  	_ =	shalt  }
0x83: {  	_ =	shalt  }
0x84: {  	_ =	shalt  }
0x85: {  	_ =	shalt  }
0x86: {  	_ =	shalt  }
0x87: {  	_ =	shalt  }
.Lfunc_end0:
.L_simem_size_0:
called_computation.1_lowered:
.L_overlay_start_0:
0x88: {  	s2 =	sld [smem:$0x3FD9]  }
0x89: {  	s3 =	sld [smem:$0x3FFE];
	_ =	sdelay $0x1  }
0x8a: {  	s1 =	srdreg.scid  }
0x8b: {  	s0 =	sand.u32 $0x1, s1  }
0x8c: {  	s14 =	sshll.u32 s0, $0xA;
	s2 =	sadd.s32 s3, s2  }
0x8d: {  	s2 =	sadd.s32 s2, s14  }
0x8e: {  	[smem:$0x3FAF] =	sst s2  }
0x8f: {  	_ = 	snop  }
0x90: {  	s2 =	sld [smem:$0x3FD0];
	_ =	sdelay $0x2  }
0x91: {  	s15 =	simm.s32 $0xA;
	s4 =	simm.s32 $0x10  }
0x92: {  	[smem:s4], [sflag:s15] =	dma.local [hbm:s2], $0x1  }
0x93: {  	_ =	swait.eq [sflag:s15], $0x1  }
0x94: {  	s16 =	sld [smem:$0x10];
	[sflag:s15] =	ssyncset.done $0x0  }
0x95: {  	s17 =	sld [smem:$0x11];
	[sflag:s15] =	ssyncadd.s32 $0xFFFFFFFF  }
0x96: {  	s18 =	sld [smem:$0x12];
	(tm) =	ssettm $0x1  }
0x97: {  	s5 =	sld [smem:$0x3FFB];
	_ =	sdelay $0x3  }
0x98: {  	_ =	strace s5  }
0x99: {  	s5 =	sld [smem:$0x3FFC];
	_ =	sdelay $0x3  }
0x9a: {  	_ =	strace s5  }
0x9b: {  	s5 =	sld [smem:$0x3FFD];
	_ =	sdelay $0x3  }
0x9c: {  	_ =	strace s5  }
0x9d: {  	_ =	strace $0x8FFFFFFF  }
0x9e: {  	s19 =	sld [smem:$0x3FDB];
	_ =	sdelay $0x1  }
0x9f: {  	s6 =	simm.s32 $_scs_section_size  }
0xa0: {  	s7 =	simm.s32 $_size__tile_overlayer_lowered;
	s8 =	simm.s32 $_tile_overlayer_lowered  }
0xa1: {  	s22 =	simm.s32 $0x1BFF;
	s21 =	sshll.u32 s8, $0x1;
	s5 =	sadd.s32 s6, s19  }
0xa2: {  	s9 =	simm.s32 $0x0;
	s20 =	sshll.u32 s7, $0x1;
	s7 =	sadd.s32 s21, s5  }
0xa3: {  	[timem:s9], [sflag:s22] =	dma.local [hbm:s7], s20  }
0xa4: {  	_ =	swait.ge [sflag:s22], s20  }
0xa5: {  	s6 =	ssub.s32 $0x0, s20;
	[sflag:s22] =	ssyncset.done $0x0  }
0xa6: {  	[sflag:s22] =	ssyncadd.s32 s6;
	_ =	sdelay $0x1  }
0xa7: {  	s23 =	simm.s32 $0x1B8B  }
0xa8: {  	_ =	swait.ge [sflag:s23], $0x1  }
0xa9: {  	[sflag:s23] =	ssyncset.done $0x0  }
0xaa: {  	s25 =	simm.s32 $0x1B8E;
	s24 =	sld [smem:$0x3FFE];
	[sflag:s23] =	ssyncadd.s32 $0xFFFFFFFF  }
0xab: {  	s26 =	simm.s32 $execute0_lowered;
	[smem:$0x3FD2] =	sst s25  }
0xac: {  	s7 =	sshll.u32 s26, $0x1;
	_ =	strace $0x80000049;
	[dreg:$0x1] =	wrdreg $0xFFFFFFFF  }
0xad: {  	s28 =	simm.s32 $_size_execute0_lowered;
	s5 =	sadd.s32 s5, s7;
	[dreg:$0x0] =	wrdreg $0x0  }
0xae: {  	s7 =	sshll.u32 s28, $0x1;
	[dreg:$0x2] =	wrdreg s5  }
0xaf: {  	[dreg:$0x3] =	wrdreg s7  }
0xb0: {  	[dreg:$0x4] =	wrdreg $0xC0  }
0xb1: {  	_ =	task [dreg:s9], $0x5FFFF  }
0xb2: {  	[dreg:$0x1] =	wrdreg $0xFFFFFFFF  }
0xb3: {  	[dreg:$0x0] =	wrdreg $0x60  }
0xb4: {  	[dreg:$0x2] =	wrdreg s24  }
0xb5: {  	[dreg:$0x3] =	wrdreg s17  }
0xb6: {  	[dreg:$0x4] =	wrdreg s16  }
0xb7: {  	[dreg:$0x5] =	wrdreg s18  }
0xb8: {  	[dreg:$0x6] =	wrdreg $0x11880  }
0xb9: {  	[dreg:$0x7] =	wrdreg $0x9  }
0xba: {  	_ =	task.clear_ibuf [dreg:s9], $0x8FFFF;
	_ =	strace $0x90000049  }
0xbb: {  	s29 =	simm.s32 $0x9;
	_ =	strace $0x8000004B  }
0xbc: {  	_ =	swait.ge [sflag:s29], $0x1  }
0xbd: {  	[sflag:s29] =	ssyncadd.s32 $0xFFFFFFFF  }
0xbe: {  	_ =	strace $0x9000004B  }
0xbf: {  	_ =	sfence  }
0xc0: {  	s30 =	sld [smem:$0x0];
	_ =	sdelay $0x2  }
0xc1: {  	s31 =	sshll.u32 s1, $0xD;
	s1 =	sshrl.u32 s1, $0x2  }
0xc2: {  	s3 =	sand.u32 $0x4000, s31;
	s1 =	sadd.s32 s1, s30  }
0xc3: {  	s0 =	sor.u32 s3, s0;
	s1 =	sshll.u32 s1, $0x11  }
0xc4: {  	s0 =	sor.u32 s1, s0  }
0xc5: {  	s0 =	sadd.s32 $0x8F2B, s0  }
0xc6: {  	[sflag:s0] =	ssyncadd.remote.s32 $0x1  }
0xc7: {  	_ =	sfence.sel $0xFFFF  }
0xc8: {  	[dreg:$0x0] =	wrdreg $0xFFFFFFFF;
	(pc) =	sbr.abs _section_cstart, $3  }
0xc9: {  	[dreg:$0x1] =	wrdreg $0xFFFFFFFF  }
0xca: {  	_ =	task.clear_ibuf [dreg:s9], $0x2FFFF;
	_ =	strace $0x9FFFFFFF  }
0xcb: {  	(tm) =	ssettm $0x7FFFFFFF  }
tec
execute0_lowered:
.L_overlay_start_1:
0x0: {  	(tag) =	ssettag $0x1  }
0x1: {  	s5 =	rddreg [dreg:$0x0]  }
0x2: {  	s11 =	rddreg [dreg:$0x1]  }
0x3: {  	s2 =	rddreg [dreg:$0x2]  }
0x4: {  	s8 =	rddreg [dreg:$0x3]  }
0x5: {  	s3 =	rddreg [dreg:$0x4];
	s1 =	stileid.u32  }
0x6: {  	s4 =	srdreg.scid;
	s7 =	smul.u32 $0x4E40, s1  }
0x7: {  	s0 =	rddreg [dreg:$0x5];
	s16 =	smul.u32 $0x2710, s1  }
0x8: {  	s18 =	simm.s32 $0x0;
	s9 =	sand.u32 $0x1, s4;
	s28 =	smul.u32 $0x9C40, s1  }
0x9: {  	s6 =	sshll.u32 s1, $0x1;
	s4 =	simm.s32 $0x0;
	s15 =	smul.u32 $0x4E400, s9  }
0xa: {  	s12 =	sadd.s32 $0x2AE00, s5;
	s25 =	sshll.u32 s1, $0x6;
	s17 =	smul.u32 $0x1388, s9  }
0xb: {  	s6 =	sor.u32 s9, s6;
	[smem:$0x7FF] =	sst s4;
	s29 =	smul.u32 $0x4E20, s9  }
0xc: {  	s10 =	ssub.s32 $0x2, s9;
	s5 =	sor.u32 $0x1C01, s25;
	s6 =	smul.u32 $0x1388, s6  }
0xd: {  	_ =	strace $0x8000004A;
	s24 =	sshrl.u32 s10, $0x1;
	s13 =	sadd.s32 s7, s3  }
0xe: {  	s30 =	sadd.s32 s28, s12;
	s10 =	ssub.s32 s10, s24;
	s15 =	sadd.s32 s7, s15  }
0xf: {  	s16 =	sadd.s32 s17, s16;
	s17 =	simm.s32 $0x8;
	s14 =	sadd.s32 $0x1380, s6  }
0x10: {  	s26 =	sshrl.u32 s15, $0x3;
	s9 =	smax.u32 s10, $0x1;
	s31 =	sshrl.u32 s16, $0x3  }
0x11: {  	s10 =	sadd.s32 s29, s30;
	s15 =	simm.s32 $0x1080;
	s16 =	simm.s32 $0x1088  }
0x12: {  	s6 =	sshrl.u32 s14, $0x3;
	s14 =	sshll.u32 s14, $0x2;
	s8 =	sadd.s32 s8, s26  }
0x13: {  	s6 =	sadd.s32 s11, s6;
	s7 =	sadd.s32 s12, s14;
	s11 =	sadd.s32 s31, s11  }
0x14: {  	s12 =	sshrl.u32 s13, $0x3;
	s13 =	simm.s32 $0x1;
	s14 =	simm.s32 $0x80  }
.LBB2_1:
0x15: {  	[spmem:s12], [sflag:s5] =	dma.local [hbm:s2], $0x9C8  }
0x16: {  	_ =	swait.ge [sflag:s13], $0x9C8  }
0x17: {  	[sflag:s13] =	ssyncset.done $0x0  }
0x18: {  	[sflag:s13] =	ssyncadd.s32 $0xFFFFF638  }
0x19: {  	s19 =	sadd.s32 $0x0, s11;
	[bflag:$0x0] =	sbarrier.arrive $0xFFFF  }
0x1a: {  	[tilespmem:s4], [sflag:$0x1] =	stream.linear.gather [hbm4b:s19+s4], $0x80, $0x38;
	[tilespmem:$0x5FC8] =	vst v63  }
0x1b: {  	_ =	swait.ge [sflag:s13], $0x80  }
0x1c: {  	[sflag:s13] =	ssyncset.done $0x0  }
0x1d: {  	[sflag:s13] =	ssyncadd.s32 $0xFFFFFF80  }
0x1e: {  	[tilespmem:s14], [sflag:$0x1] =	stream.linear.gather [hbm4b:s10+s4], $0x1000, $0x38;
	[tilespmem:$0x5FC8] =	vst v63  }
0x1f: {  	_ =	swait.ge [sflag:s13], $0x1000  }
0x20: {  	[sflag:s13] =	ssyncset.done $0x0  }
0x21: {  	[sflag:s13] =	ssyncadd.s32 $0xFFFFF000  }
0x22: {  	[spmem:s3] =	stream.indirect.scatter.add.f32 [tilespmem:s14], [sflag:$0x1], $0x20, s4, s14, $0xb8;
	[tilespmem:$0x5FC8] =	vst v63  }
0x23: {  	s20 =	simm.s32 $0x10;
	_ =	swait.ge [sflag:s13], $0x1000  }
0x24: {  	s21 =	simm.s32 $0x20;
	s19 =	sadd.s32 $0x200, s10;
	[sflag:s13] =	ssyncset.done $0x0  }
.LBB2_2:
0x25: {  	s22 =	sadd.s32 s20, s11  }
0x26: {  	[sflag:s13] =	ssyncadd.s32 $0xFFFFF000;
	s20 =	smov.u32 s21;
	s23 =	sadd.s32 $0x10, s21  }
0x27: {  	[tilespmem:s4], [sflag:$0x1] =	stream.linear.gather [hbm4b:s22+s4], $0x80, $0x38;
	[tilespmem:$0x5FC8] =	vst v63  }
0x28: {  	p0 =	sne.s32 s21, $0x260;
	_ =	swait.ge [sflag:s13], $0x80  }
0x29: {  	[sflag:s13] =	ssyncset.done $0x0  }
0x2a: {  	[sflag:s13] =	ssyncadd.s32 $0xFFFFFF80  }
0x2b: {  	[tilespmem:s14], [sflag:$0x1] =	stream.linear.gather [hbm4b:s19+s4], $0x1000, $0x38;
	[tilespmem:$0x5FC8] =	vst v63  }
0x2c: {  	_ =	swait.ge [sflag:s13], $0x1000  }
.Ltmp0:
0x2d: {  	[sflag:s13] =	ssyncset.done $0x0;
	(pc) =	sbr.rel @p0 .LBB2_2-.Ltmp0, $4  }
0x2e: {  	[sflag:s13] =	ssyncadd.s32 $0xFFFFF000  }
0x2f: {  	[spmem:s3] =	stream.indirect.scatter.add.f32 [tilespmem:s14], [sflag:$0x1], $0x20, s4, s14, $0xb8;
	[tilespmem:$0x5FC8] =	vst v63  }
0x30: {  	_ =	swait.ge [sflag:s13], $0x1000  }
0x31: {  	s21 =	smov.u32 s23;
	s19 =	sadd.s32 $0x200, s19;
	[sflag:s13] =	ssyncset.done $0x0  }
0x32: {  	s20 =	sadd.s32 s20, s11;
	[sflag:s13] =	ssyncadd.s32 $0xFFFFF000  }
0x33: {  	[tilespmem:s4], [sflag:$0x1] =	stream.linear.gather [hbm4b:s20+s4], $0x80, $0x38;
	[tilespmem:$0x5FC8] =	vst v63  }
0x34: {  	_ =	swait.ge [sflag:s13], $0x80  }
0x35: {  	[sflag:s13] =	ssyncset.done $0x0  }
0x36: {  	[sflag:s13] =	ssyncadd.s32 $0xFFFFFF80  }
0x37: {  	[tilespmem:s14], [sflag:$0x1] =	stream.linear.gather [hbm4b:s19+s4], $0x1000, $0x38;
	[tilespmem:$0x5FC8] =	vst v63  }
0x38: {  	_ =	swait.ge [sflag:s13], $0x1000  }
0x39: {  	[sflag:s13] =	ssyncset.done $0x0  }
0x3a: {  	[sflag:s13] =	ssyncadd.s32 $0xFFFFF000  }
0x3b: {  	[spmem:s3] =	stream.indirect.scatter.add.f32 [tilespmem:s14], [sflag:$0x1], $0x20, s4, s14, $0xb8;
	[tilespmem:$0x5FC8] =	vst v63  }
0x3c: {  	_ =	swait.ge [sflag:s13], $0x1000  }
0x3d: {  	[sflag:s13] =	ssyncset.done $0x0  }
0x3e: {  	[sflag:s13] =	ssyncadd.s32 $0xFFFFF000  }
0x3f: {  	[tilespmem:s15], [sflag:$0x1] =	stream.linear.gather [hbm4b:s6+s4], $0x8, $0x38;
	[tilespmem:$0x5FC8] =	vst v63  }
0x40: {  	_ =	swait.ge [sflag:s13], $0x8  }
0x41: {  	[sflag:s13] =	ssyncset.done $0x0  }
0x42: {  	[sflag:s13] =	ssyncadd.s32 $0xFFFFFFF8  }
0x43: {  	[tilespmem:s16], [sflag:$0x1] =	stream.linear.gather [hbm4b:s7+s4], $0x100, $0x38;
	[tilespmem:$0x5FC8] =	vst v63  }
0x44: {  	_ =	swait.ge [sflag:s13], $0x100  }
0x45: {  	[sflag:s13] =	ssyncset.done $0x0  }
0x46: {  	[sflag:s13] =	ssyncadd.s32 $0xFFFFFF00  }
0x47: {  	[spmem:s3] =	stream.indirect.scatter.add.f32 [tilespmem:s16], [sflag:$0x1], $0x20, s15, s17, $0xb8;
	[tilespmem:$0x5FC8] =	vst v63  }
0x48: {  	_ =	swait.ge [sflag:s13], $0x100  }
0x49: {  	s18 =	sadd.s32 $0x1, s18;
	[sflag:s13] =	ssyncset.done $0x0  }
0x4a: {  	p0 =	sne.s32 s18, s9;
	[sflag:s13] =	ssyncadd.s32 $0xFFFFFF00  }
.Ltmp1:
0x4b: {  	[bflag:$0x0] =	sbarrier.arrive $0xFFFF;
	(pc) =	sbr.rel @p0 .LBB2_1-.Ltmp1, $4  }
0x4c: {  	[hbm:s8], [sflag:s5] =	dma.local [spmem:s12], $0x9C8  }
0x4d: {  	_ =	swait.ge [sflag:s13], $0x9C8  }
0x4e: {  	[sflag:s13] =	ssyncset.done $0x0  }
0x4f: {  	[sflag:s13] =	ssyncadd.s32 $0xFFFFF638  }
0x50: {  	_ =	sfence.sel $0x180000  }
0x51: {  	[bflag:$0x0] =	sbarrier.arrive $0xFFFF  }
0x52: {  	p0 =	sne.s32 s1, $0x0;
	_ =	strace $0x9000004A  }
0x53: {  	s0 =	sadd.s32 @!p0 $0x100000, s0;
	[bflag:$0x2] =	sbarrier.arrive $0xFFFF  }
0x54: {  	[sflag:s0] =	ssyncadd.tile.s32 @!p0 $0x1;
	_ =	shalt  }
.Lfunc_end2:
_tile_overlayer_lowered:
.L_overlay_start_2:
0x55: {  	(tag) =	ssettag $0x2  }
0x56: {  	s0 =	rddreg [dreg:$0x0];
	s2 =	stileid.u32  }
0x57: {  	s1 =	rddreg [dreg:$0x1];
	p0 =	sne.s32 s2, $0x0  }
0x58: {  	s3 =	rddreg [dreg:$0x2];
	[bflag:$0x3] =	sbarrier.arrive $0xFFFF;
	s2 =	simm.s32 @!p0 $0x1C01  }
0x59: {  	[timem:s3], [sflag:s2] =	dma.local @!p0 [hbm:s0], s1  }
0x5a: {  	s0 =	simm.s32 @!p0 $0x1  }
0x5b: {  	_ =	swait.ge @!p0 [sflag:s0], s1  }
0x5c: {  	s1 =	ssub.s32 @!p0 $0x0, s1;
	[sflag:s0] =	ssyncset.done @!p0 $0x0  }
0x5d: {  	[sflag:s0] =	ssyncadd.s32 @!p0 s1  }
0x5e: {  	[bflag:$0x3] =	sbarrier.arrive $0xFFFF  }
0x5f: {  	_ =	shalt  }

// kernel: kernel.7.cloned.1.call-start
scs
__scs_entry_jumppad:
0x0: {  	(pc) =	sbr.rel $0x88, $3  }
0x1: {  	(tag) =	ssettag $0x0;
	lr =	simm.s32 $0x1  }
0x2: {  	[smem:$0x3F88] =	sst lr;
	_ =	strace $0xD0000000  }
0x3: {  	_ = 	snop  }
0x4: {  	_ = 	snop  }
0x5: {  	_ = 	snop  }
0x6: {  	_ = 	snop  }
0x7: {  	_ = 	snop  }
__scs_overlays_trampoline_lowered:
0x8: {  	[smem:$0x3F97] =	sst s0  }
0x9: {  	[smem:$0x3F98] =	sst s1  }
0xa: {  	[smem:$0x3F99] =	sst s2  }
0xb: {  	[smem:$0x3F9A] =	sst s3  }
0xc: {  	[smem:$0x3F9B] =	sst s4  }
0xd: {  	[smem:$0x3F9C] =	sst s5  }
0xe: {  	[smem:$0x3F9D] =	sst s6  }
0xf: {  	[smem:$0x3F9E] =	sst s7  }
0x10: {  	[smem:$0x3F9F] =	sst s8  }
0x11: {  	[smem:$0x3FA0] =	sst s9;
	s0 =	simm.s32 @!p0 $0x0  }
0x12: {  	s1 =	sld [smem:$0x3F86];
	s0 =	simm.s32 @p0 $0x1  }
0x13: {  	[smem:$0x3FA1] =	sst s0;
	s0 =	simm.s32 @!p1 $0x0  }
0x14: {  	s2 =	sld [smem:$0x3F85];
	s0 =	simm.s32 @p1 $0x1  }
0x15: {  	[smem:$0x3FA2] =	sst s0;
	s0 =	simm.s32 @!p2 $0x0  }
0x16: {  	s3 =	sld [smem:$0x3FDB];
	s0 =	simm.s32 @p2 $0x1  }
0x17: {  	s4 =	simm.s32 $0x1BF5;
	[smem:$0x3FA4] =	sst s0  }
0x18: {  	s0 =	sld [smem:$0x3F87];
	_ =	swait.ge [sflag:s4], $0x0  }
0x19: {  	s7 =	sld [smem:$0x3F88]  }
0x1a: {  	s8 =	sadd.s32 $0xFFFFE003, lr  }
0x1b: {  	s9 =	sadd.s32 $0xFFFFFEF7, lr;
	s5 =	simm.s32 $0xFFFFFFFF;
	p2 =	slt.u32 s8, $0xFFFFF086  }
0x1c: {  	p1 =	slt.u32 s9, $0xF7A;
	s5 =	simm.s32 @!p2 $0x0  }
0x1d: {  	s5 =	simm.s32 @p1 $0x1;
	p0 =	seq.s32 s7, s2  }
0x1e: {  	s7 =	smul.u32 @!p0 $0xF7A, s2;
	p2 =	seq.s32 @!p0 s5, $0x0  }
0x1f: {  	s9 =	smul.u32 $0xF7A, s1;
	s8 =	simm.s32 @!p0 $0x1BF5;
	p2 =	por !p2, p0  }
0x20: {  	[sflag:s8] =	ssyncset.s32 @!p0 $0xFFFFF086;
	s6 =	sadd.s32 @!p0 s3, s7;
	s7 =	simm.s32 @!p0 $0x108  }
0x21: {  	s3 =	sadd.s32 s3, s9;
	s6 =	sadd.s32 @!p0 $0x88, s6;
	s7 =	simm.s32 @p2 $0x1082  }
0x22: {  	[simem:s7], [sflag:s8] =	dma.local @!p0 [hbm:s6], $0xF7A  }
0x23: {  	s9 =	sor.u32 $0xD0000000, s2;
	s6 =	simm.s32 $0x108;
	_ =	swait.ge @!p0 [sflag:s8], $0x0  }
0x24: {  	s3 =	sadd.s32 $0x88, s3;
	s6 =	simm.s32 @!p1 $0x1082;
	[sflag:s4] =	ssyncset.s32 $0xFFFFF086  }
0x25: {  	[simem:s6], [sflag:s4] =	dma.local [hbm:s3], $0xF7A  }
0x26: {  	[smem:$0x3F88] =	sst s1;
	(tag) =	ssettag s2;
	_ =	strace s9  }
0x27: {  	s1 =	sld [smem:$0x3F98]  }
0x28: {  	s2 =	sld [smem:$0x3F99]  }
0x29: {  	s4 =	sld [smem:$0x3F9B]  }
0x2a: {  	p0 =	seq.s32 s5, $0x0;
	s5 =	sld [smem:$0x3F9C]  }
0x2b: {  	s6 =	sld [smem:$0x3F9D]  }
0x2c: {  	s7 =	sld [smem:$0x3F9E]  }
0x2d: {  	s3 =	simm.s32 $0x108;
	s8 =	sld [smem:$0x3F9F]  }
0x2e: {  	s3 =	simm.s32 @!p0 $0x1082;
	s9 =	sld [smem:$0x3FA0]  }
0x2f: {  	lr =	sadd.s32 s0, s3;
	s0 =	sld [smem:$0x3F97]  }
0x30: {  	s3 =	sld [smem:$0x3F9A]  }
0x31: {  	[smem:$0x3FA3] =	sst s10  }
0x32: {  	s10 =	sld [smem:$0x3FA1];
	_ =	sdelay $0x3  }
0x33: {  	p0 =	seq.s32 s10, $0x1;
	s10 =	sld [smem:$0x3FA3];
	_ =	sdelay $0x3  }
0x34: {  	[smem:$0x3FA3] =	sst s10  }
0x35: {  	s10 =	sld [smem:$0x3FA2];
	_ =	sdelay $0x3  }
0x36: {  	p1 =	seq.s32 s10, $0x1;
	s10 =	sld [smem:$0x3FA3];
	_ =	sdelay $0x3  }
0x37: {  	[smem:$0x3FA3] =	sst s10  }
0x38: {  	s10 =	sld [smem:$0x3FA4]  }
0x39: {  	_ = 	snop;
	(pc) =	sbr.ind lr, $3  }
0x3a: {  	_ = 	snop  }
0x3b: {  	_ = 	snop  }
0x3c: {  	p2 =	seq.s32 s10, $0x1;
	s10 =	sld [smem:$0x3FA3]  }
0x3d: {  	_ =	shalt  }
0x3e: {  	_ =	shalt  }
0x3f: {  	_ =	shalt  }
0x40: {  	_ =	shalt  }
0x41: {  	_ =	shalt  }
0x42: {  	_ =	shalt  }
0x43: {  	_ =	shalt  }
0x44: {  	_ =	shalt  }
0x45: {  	_ =	shalt  }
0x46: {  	_ =	shalt  }
0x47: {  	_ =	shalt  }
0x48: {  	_ =	shalt  }
0x49: {  	_ =	shalt  }
0x4a: {  	_ =	shalt  }
0x4b: {  	_ =	shalt  }
0x4c: {  	_ =	shalt  }
0x4d: {  	_ =	shalt  }
0x4e: {  	_ =	shalt  }
0x4f: {  	_ =	shalt  }
0x50: {  	_ =	shalt  }
0x51: {  	_ =	shalt  }
0x52: {  	_ =	shalt  }
0x53: {  	_ =	shalt  }
0x54: {  	_ =	shalt  }
0x55: {  	_ =	shalt  }
0x56: {  	_ =	shalt  }
0x57: {  	_ =	shalt  }
0x58: {  	_ =	shalt  }
0x59: {  	_ =	shalt  }
0x5a: {  	_ =	shalt  }
0x5b: {  	_ =	shalt  }
0x5c: {  	_ =	shalt  }
0x5d: {  	_ =	shalt  }
0x5e: {  	_ =	shalt  }
0x5f: {  	_ =	shalt  }
0x60: {  	_ =	shalt  }
0x61: {  	_ =	shalt  }
0x62: {  	_ =	shalt  }
0x63: {  	_ =	shalt  }
0x64: {  	_ =	shalt  }
0x65: {  	_ =	shalt  }
0x66: {  	_ =	shalt  }
0x67: {  	_ =	shalt  }
0x68: {  	_ =	shalt  }
0x69: {  	_ =	shalt  }
0x6a: {  	_ =	shalt  }
0x6b: {  	_ =	shalt  }
0x6c: {  	_ =	shalt  }
0x6d: {  	_ =	shalt  }
0x6e: {  	_ =	shalt  }
0x6f: {  	_ =	shalt  }
0x70: {  	_ =	shalt  }
0x71: {  	_ =	shalt  }
0x72: {  	_ =	shalt  }
0x73: {  	_ =	shalt  }
0x74: {  	_ =	shalt  }
0x75: {  	_ =	shalt  }
0x76: {  	_ =	shalt  }
0x77: {  	_ =	shalt  }
0x78: {  	_ =	shalt  }
0x79: {  	_ =	shalt  }
0x7a: {  	_ =	shalt  }
0x7b: {  	_ =	shalt  }
0x7c: {  	_ =	shalt  }
0x7d: {  	_ =	shalt  }
0x7e: {  	_ =	shalt  }
0x7f: {  	_ =	shalt  }
0x80: {  	_ =	shalt  }
0x81: {  	_ =	shalt  }
0x82: {  	_ =	shalt  }
0x83: {  	_ =	shalt  }
0x84: {  	_ =	shalt  }
0x85: {  	_ =	shalt  }
0x86: {  	_ =	shalt  }
0x87: {  	_ =	shalt  }
.Lfunc_end0:
.L_simem_size_0:
called_computation_lowered:
.L_overlay_start_0:
0x88: {  	s2 =	sld [smem:$0x3FD9]  }
0x89: {  	s3 =	sld [smem:$0x3FFE];
	_ =	sdelay $0x1  }
0x8a: {  	s1 =	srdreg.scid  }
0x8b: {  	s0 =	sand.u32 $0x1, s1  }
0x8c: {  	s14 =	sshll.u32 s0, $0xA;
	s2 =	sadd.s32 s3, s2  }
0x8d: {  	s2 =	sadd.s32 s2, s14  }
0x8e: {  	[smem:$0x3FAF] =	sst s2  }
0x8f: {  	_ = 	snop  }
0x90: {  	s2 =	sld [smem:$0x3FD0];
	_ =	sdelay $0x2  }
0x91: {  	s15 =	simm.s32 $0xA;
	s4 =	simm.s32 $0x10  }
0x92: {  	[smem:s4], [sflag:s15] =	dma.local [hbm:s2], $0x1  }
0x93: {  	_ =	swait.eq [sflag:s15], $0x1  }
0x94: {  	[sflag:s15] =	ssyncset.done $0x0  }
0x95: {  	s16 =	sld [smem:$0x10];
	[sflag:s15] =	ssyncadd.s32 $0xFFFFFFFF  }
0x96: {  	s17 =	sld [smem:$0x12];
	(tm) =	ssettm $0x1  }
0x97: {  	s18 =	sld [smem:$0x3FFB];
	_ =	sdelay $0x3  }
0x98: {  	_ =	strace s18  }
0x99: {  	s4 =	sld [smem:$0x3FFC];
	_ =	sdelay $0x3  }
0x9a: {  	_ =	strace s4  }
0x9b: {  	s4 =	sld [smem:$0x3FFD];
	_ =	sdelay $0x3  }
0x9c: {  	_ =	strace s4  }
0x9d: {  	_ =	strace $0x8FFFFFFF  }
0x9e: {  	s19 =	sld [smem:$0x3FDB];
	_ =	sdelay $0x1  }
0x9f: {  	s5 =	simm.s32 $_scs_section_size  }
0xa0: {  	s6 =	simm.s32 $_size__tile_overlayer_lowered;
	s7 =	simm.s32 $_tile_overlayer_lowered  }
0xa1: {  	s22 =	simm.s32 $0x1BFF;
	s21 =	sshll.u32 s7, $0x1;
	s4 =	sadd.s32 s5, s19  }
0xa2: {  	s8 =	simm.s32 $0x0;
	s20 =	sshll.u32 s6, $0x1;
	s6 =	sadd.s32 s21, s4  }
0xa3: {  	[timem:s8], [sflag:s22] =	dma.local [hbm:s6], s20  }
0xa4: {  	_ =	swait.ge [sflag:s22], s20  }
0xa5: {  	s5 =	ssub.s32 $0x0, s20;
	[sflag:s22] =	ssyncset.done $0x0  }
0xa6: {  	[sflag:s22] =	ssyncadd.s32 s5;
	_ =	sdelay $0x1  }
0xa7: {  	s23 =	simm.s32 $0x1B8B  }
0xa8: {  	_ =	swait.ge [sflag:s23], $0x1  }
0xa9: {  	[sflag:s23] =	ssyncset.done $0x0  }
0xaa: {  	s25 =	simm.s32 $0x1B8E;
	s24 =	sld [smem:$0x3FFE];
	[sflag:s23] =	ssyncadd.s32 $0xFFFFFFFF  }
0xab: {  	s26 =	simm.s32 $execute0_lowered;
	[smem:$0x3FD2] =	sst s25  }
0xac: {  	s6 =	sshll.u32 s26, $0x1;
	_ =	strace $0x80000046;
	[dreg:$0x1] =	wrdreg $0xFFFFFFFF  }
0xad: {  	s28 =	simm.s32 $_size_execute0_lowered;
	s4 =	sadd.s32 s4, s6;
	[dreg:$0x0] =	wrdreg $0x0  }
0xae: {  	s6 =	sshll.u32 s28, $0x1;
	[dreg:$0x2] =	wrdreg s4  }
0xaf: {  	[dreg:$0x3] =	wrdreg s6  }
0xb0: {  	[dreg:$0x4] =	wrdreg $0xC0  }
0xb1: {  	_ =	task [dreg:s8], $0x5FFFF  }
0xb2: {  	[dreg:$0x1] =	wrdreg $0xFFFFFFFF  }
0xb3: {  	[dreg:$0x0] =	wrdreg $0x60  }
0xb4: {  	[dreg:$0x2] =	wrdreg s17  }
0xb5: {  	[dreg:$0x3] =	wrdreg s16  }
0xb6: {  	[dreg:$0x4] =	wrdreg s24  }
0xb7: {  	[dreg:$0x5] =	wrdreg $0x9  }
0xb8: {  	_ =	task.clear_ibuf [dreg:s8], $0x6FFFF;
	_ =	strace $0x90000046  }
0xb9: {  	s29 =	simm.s32 $0x9;
	_ =	strace $0x80000048  }
0xba: {  	_ =	swait.ge [sflag:s29], $0x1  }
0xbb: {  	[sflag:s29] =	ssyncadd.s32 $0xFFFFFFFF  }
0xbc: {  	_ =	strace $0x90000048  }
0xbd: {  	_ =	sfence  }
0xbe: {  	s30 =	sld [smem:$0x0];
	_ =	sdelay $0x2  }
0xbf: {  	s31 =	sshll.u32 s1, $0xD;
	s1 =	sshrl.u32 s1, $0x2  }
0xc0: {  	s3 =	sand.u32 $0x4000, s31;
	s1 =	sadd.s32 s1, s30  }
0xc1: {  	s0 =	sor.u32 s3, s0;
	s1 =	sshll.u32 s1, $0x11  }
0xc2: {  	s0 =	sor.u32 s1, s0  }
0xc3: {  	s0 =	sadd.s32 $0x8F2B, s0  }
0xc4: {  	[sflag:s0] =	ssyncadd.remote.s32 $0x1  }
0xc5: {  	_ =	sfence.sel $0xFFFF  }
0xc6: {  	[dreg:$0x0] =	wrdreg $0xFFFFFFFF;
	(pc) =	sbr.abs _section_cstart, $3  }
0xc7: {  	[dreg:$0x1] =	wrdreg $0xFFFFFFFF  }
0xc8: {  	_ =	task.clear_ibuf [dreg:s8], $0x2FFFF;
	_ =	strace $0x9FFFFFFF  }
0xc9: {  	(tm) =	ssettm $0x7FFFFFFF  }
tec
execute0_lowered:
.L_overlay_start_1:
0x0: {  	(tag) =	ssettag $0x1  }
0x1: {  	s1 =	rddreg [dreg:$0x0]  }
0x2: {  	s8 =	rddreg [dreg:$0x1];
	s2 =	srdreg.scid  }
0x3: {  	s0 =	stileid.u32;
	s4 =	rddreg [dreg:$0x2];
	s3 =	simm.s32 $0x0  }
0x4: {  	s14 =	simm.s32 $0x2088;
	s15 =	simm.s32 $0x0;
	s6 =	sand.u32 $0x1, s2  }
0x5: {  	s5 =	sshll.u32 s0, $0x1;
	s2 =	rddreg [dreg:$0x3];
	s10 =	smul.u32 $0x2710, s0  }
0x6: {  	[smem:$0x7FF] =	sst s3;
	s7 =	sadd.s32 $0x2AE00, s4;
	s12 =	smul.u32 $0x13880, s0  }
0x7: {  	s5 =	sor.u32 s6, s5;
	s29 =	ssub.s32 $0x2, s6;
	s11 =	smul.u32 $0x1388, s6  }
0x8: {  	_ =	strace $0x80000047;
	s5 =	smul.u32 $0x1388, s5;
	s9 =	sshrl.u32 s29, $0x1  }
0x9: {  	s13 =	smul.u32 $0x9C40, s6;
	s9 =	ssub.s32 s29, s9;
	s10 =	sadd.s32 s11, s10  }
0xa: {  	s11 =	simm.s32 $0x1;
	s5 =	sadd.s32 $0x1380, s5;
	s6 =	smax.u32 s9, $0x1  }
0xb: {  	s31 =	sshrl.u32 s10, $0x3;
	s9 =	simm.s32 $0x2;
	s30 =	sshrl.u32 s5, $0x3  }
0xc: {  	s10 =	simm.s32 $0x80;
	s5 =	sshll.u32 s5, $0x3;
	s4 =	sadd.s32 s8, s30  }
0xd: {  	s5 =	sadd.s32 s7, s5;
	s7 =	sadd.s32 s12, s7;
	s8 =	sadd.s32 s31, s8  }
0xe: {  	s12 =	simm.s32 $0x2080;
	s7 =	sadd.s32 s13, s7;
	s13 =	simm.s32 $0x8  }
.LBB2_1:
0xf: {  	s16 =	sadd.s32 $0x0, s8  }
0x10: {  	[tilespmem:s3], [sflag:$0x2] =	stream.linear.gather [hbm4b:s16+s3], $0x80, $0x38;
	[tilespmem:$0x2288] =	vst v63  }
0x11: {  	_ =	swait.ge [sflag:s9], $0x80  }
0x12: {  	[sflag:s9] =	ssyncset.done $0x0  }
0x13: {  	[sflag:s9] =	ssyncadd.s32 $0xFFFFFF80  }
0x14: {  	[tilespmem:s10], [sflag:$0x1] =	stream.indirect.gather [hbm4b:s1+s10], $0x40, s3, s10, $0xb8;
	[tilespmem:$0x2288] =	vst v63  }
0x15: {  	_ =	swait.ge [sflag:s11], $0x2000  }
0x16: {  	[sflag:s11] =	ssyncset.done $0x0  }
0x17: {  	[sflag:s11] =	ssyncadd.s32 $0xFFFFE000  }
0x18: {  	[hbm4b:s7+s3] =	stream.linear.scatter [tilespmem:s10], [sflag:$0x2], $0x2000, $0x38;
	[tilespmem:$0x2288] =	vst v63  }
0x19: {  	s17 =	simm.s32 $0x10;
	_ =	swait.ge [sflag:s9], $0x2000  }
0x1a: {  	s18 =	simm.s32 $0x20;
	s16 =	sadd.s32 $0x400, s7;
	[sflag:s9] =	ssyncset.done $0x0  }
.LBB2_2:
0x1b: {  	s19 =	sadd.s32 s17, s8  }
0x1c: {  	[sflag:s9] =	ssyncadd.s32 $0xFFFFE000;
	s17 =	smov.u32 s18;
	s20 =	sadd.s32 $0x10, s18  }
0x1d: {  	[tilespmem:s3], [sflag:$0x2] =	stream.linear.gather [hbm4b:s19+s3], $0x80, $0x38;
	[tilespmem:$0x2288] =	vst v63  }
0x1e: {  	p0 =	sne.s32 s18, $0x260;
	_ =	swait.ge [sflag:s9], $0x80  }
0x1f: {  	[sflag:s9] =	ssyncset.done $0x0  }
0x20: {  	[sflag:s9] =	ssyncadd.s32 $0xFFFFFF80  }
0x21: {  	[tilespmem:s10], [sflag:$0x1] =	stream.indirect.gather [hbm4b:s1+s10], $0x40, s3, s10, $0xb8;
	[tilespmem:$0x2288] =	vst v63  }
0x22: {  	_ =	swait.ge [sflag:s11], $0x2000  }
.Ltmp0:
0x23: {  	[sflag:s11] =	ssyncset.done $0x0;
	(pc) =	sbr.rel @p0 .LBB2_2-.Ltmp0, $4  }
0x24: {  	[sflag:s11] =	ssyncadd.s32 $0xFFFFE000  }
0x25: {  	[hbm4b:s16+s3] =	stream.linear.scatter [tilespmem:s10], [sflag:$0x2], $0x2000, $0x38;
	[tilespmem:$0x2288] =	vst v63  }
0x26: {  	_ =	swait.ge [sflag:s9], $0x2000  }
0x27: {  	s18 =	smov.u32 s20;
	s16 =	sadd.s32 $0x400, s16;
	[sflag:s9] =	ssyncset.done $0x0  }
0x28: {  	s17 =	sadd.s32 s17, s8;
	[sflag:s9] =	ssyncadd.s32 $0xFFFFE000  }
0x29: {  	[tilespmem:s3], [sflag:$0x2] =	stream.linear.gather [hbm4b:s17+s3], $0x80, $0x38;
	[tilespmem:$0x2288] =	vst v63  }
0x2a: {  	_ =	swait.ge [sflag:s9], $0x80  }
0x2b: {  	[sflag:s9] =	ssyncset.done $0x0  }
0x2c: {  	[sflag:s9] =	ssyncadd.s32 $0xFFFFFF80  }
0x2d: {  	[tilespmem:s10], [sflag:$0x1] =	stream.indirect.gather [hbm4b:s1+s10], $0x40, s3, s10, $0xb8;
	[tilespmem:$0x2288] =	vst v63  }
0x2e: {  	_ =	swait.ge [sflag:s11], $0x2000  }
0x2f: {  	[sflag:s11] =	ssyncset.done $0x0  }
0x30: {  	[sflag:s11] =	ssyncadd.s32 $0xFFFFE000  }
0x31: {  	[hbm4b:s16+s3] =	stream.linear.scatter [tilespmem:s10], [sflag:$0x2], $0x2000, $0x38;
	[tilespmem:$0x2288] =	vst v63  }
0x32: {  	_ =	swait.ge [sflag:s9], $0x2000  }
0x33: {  	[sflag:s9] =	ssyncset.done $0x0  }
0x34: {  	[sflag:s9] =	ssyncadd.s32 $0xFFFFE000  }
0x35: {  	[tilespmem:s12], [sflag:$0x2] =	stream.linear.gather [hbm4b:s4+s3], $0x8, $0x38;
	[tilespmem:$0x2288] =	vst v63  }
0x36: {  	_ =	swait.ge [sflag:s9], $0x8  }
0x37: {  	[sflag:s9] =	ssyncset.done $0x0  }
0x38: {  	[sflag:s9] =	ssyncadd.s32 $0xFFFFFFF8  }
0x39: {  	[tilespmem:s14], [sflag:$0x1] =	stream.indirect.gather [hbm4b:s1+s13], $0x40, s12, s13, $0xb8;
	[tilespmem:$0x2288] =	vst v63  }
0x3a: {  	s15 =	sadd.s32 $0x1, s15;
	_ =	swait.ge [sflag:s11], $0x200  }
0x3b: {  	p0 =	sne.s32 s15, s6;
	[sflag:s11] =	ssyncset.done $0x0  }
.Ltmp1:
0x3c: {  	[sflag:s11] =	ssyncadd.s32 $0xFFFFFE00;
	(pc) =	sbr.rel @p0 .LBB2_1-.Ltmp1, $4  }
0x3d: {  	[hbm4b:s5+s3] =	stream.linear.scatter [tilespmem:s14], [sflag:$0x2], $0x200, $0x38;
	[tilespmem:$0x2288] =	vst v63  }
0x3e: {  	_ =	swait.ge [sflag:s9], $0x200  }
0x3f: {  	[sflag:s9] =	ssyncset.done $0x0  }
0x40: {  	[sflag:s9] =	ssyncadd.s32 $0xFFFFFE00  }
0x41: {  	_ =	sfence.sel $0x180000  }
0x42: {  	[bflag:$0x0] =	sbarrier.arrive $0xFFFF  }
0x43: {  	p0 =	sne.s32 s0, $0x0;
	_ =	strace $0x90000047  }
0x44: {  	s0 =	sadd.s32 @!p0 $0x100000, s2;
	[bflag:$0x2] =	sbarrier.arrive $0xFFFF  }
0x45: {  	[sflag:s0] =	ssyncadd.tile.s32 @!p0 $0x1;
	_ =	shalt  }
.Lfunc_end2:
_tile_overlayer_lowered:
.L_overlay_start_2:
0x46: {  	(tag) =	ssettag $0x2  }
0x47: {  	s0 =	rddreg [dreg:$0x0];
	s2 =	stileid.u32  }
0x48: {  	s1 =	rddreg [dreg:$0x1];
	p0 =	sne.s32 s2, $0x0  }
0x49: {  	s3 =	rddreg [dreg:$0x2];
	[bflag:$0x3] =	sbarrier.arrive $0xFFFF;
	s2 =	simm.s32 @!p0 $0x1C02  }
0x4a: {  	[timem:s3], [sflag:s2] =	dma.local @!p0 [hbm:s0], s1  }
0x4b: {  	s0 =	simm.s32 @!p0 $0x2  }
0x4c: {  	_ =	swait.ge @!p0 [sflag:s0], s1  }
0x4d: {  	s1 =	ssub.s32 @!p0 $0x0, s1;
	[sflag:s0] =	ssyncset.done @!p0 $0x0  }
0x4e: {  	[sflag:s0] =	ssyncadd.s32 @!p0 s1  }
0x4f: {  	[bflag:$0x3] =	sbarrier.arrive $0xFFFF  }
0x50: {  	_ =	shalt  }

</sc_bundles>
